<compile_context>
chip_gen: v7x
topology: tpu7x:2x2x1
jax: 0.10.2.dev20260603
libtpu: 0.0.44.dev20260713+nightly
codegen_flags: <defaults>
</compile_context>

<pallas_src>
import functools

import jax
import jax.numpy as jnp
from jax import lax
from jax.experimental import pallas as pl
from jax.experimental.pallas import tpu as pltpu
from jax.experimental.pallas import tpu_sc as plsc

_NC = 2
_NS = 16
_LANES = 16
_NW = _NC * _NS
_VPAD = 128


def _sc_counts(indices):
    B, L = indices.shape
    bags_per_w = B // _NW
    n_chunks = 4
    chunk_b = bags_per_w // n_chunks
    groups_per_chunk = chunk_b // _LANES

    mesh = plsc.VectorSubcoreMesh(
        core_axis_name="c", subcore_axis_name="s",
        num_cores=_NC, num_subcores=_NS)

    @functools.partial(
        pl.kernel,
        mesh=mesh,
        out_type=jax.ShapeDtypeStruct((B, _VPAD), jnp.float32),
        scratch_types=[
            pltpu.VMEM((chunk_b, L), jnp.int32),
            pltpu.VMEM((chunk_b, L), jnp.int32),
            pltpu.VMEM((bags_per_w, _VPAD), jnp.float32),
            pltpu.SemaphoreType.DMA,
            pltpu.SemaphoreType.DMA,
        ],
        compiler_params=pltpu.CompilerParams(
            needs_layout_passes=False, use_tc_tiling_on_sc=False),
    )
    def counts_kernel(idx_hbm, counts_hbm, idx_v0, idx_v1, cnt_v, sem0, sem1):
        wid = lax.axis_index("s") * _NC + lax.axis_index("c")
        base = wid * bags_per_w
        bufs = (idx_v0, idx_v1)
        sems = (sem0, sem1)

        def start_load(c):
            return pltpu.async_copy(
                idx_hbm.at[pl.ds(base + c * chunk_b, chunk_b), :],
                bufs[c % 2], sems[c % 2])

        cps = [start_load(0), start_load(1)]

        rows16 = lax.iota(jnp.int32, 16)
        ones16 = jnp.ones((16,), jnp.float32)
        zeros16 = jnp.zeros((16,), jnp.float32)

        @plsc.parallel_loop(0, bags_per_w, unroll=2)
        def _zero(r):
            for c in range(_VPAD // 16):
                cnt_v[r, pl.ds(c * 16, 16)] = zeros16

        for chunk in range(n_chunks):
            cps[chunk].wait()
            idx_v = bufs[chunk % 2]

            def group_body(g, carry, idx_v=idx_v, chunk=chunk):
                grows = g * _LANES + rows16
                crows = chunk * chunk_b + grows

                @plsc.parallel_loop(0, L, unroll=8)
                def _accum(l):
                    col = jnp.full((16,), l, jnp.int32)
                    idxv = plsc.load_gather(idx_v, [grows, col])
                    plsc.addupdate_scatter(cnt_v, [crows, idxv], ones16)

                return carry

            lax.fori_loop(0, groups_per_chunk, group_body, 0)
            if chunk + 2 < n_chunks:
                cps.append(start_load(chunk + 2))

        pltpu.sync_copy(cnt_v, counts_hbm.at[pl.ds(base, bags_per_w), :])

    return counts_kernel(indices)


def _tc_combine(counts, table_p, inv_l):
    B = counts.shape[0]
    D = table_p.shape[1]
    blk = 2048

    def mm(cnt_ref, tab_ref, o_ref):
        o_ref[...] = jnp.dot(
            cnt_ref[...], tab_ref[...],
            preferred_element_type=jnp.float32) * inv_l

    return pl.pallas_call(
        mm,
        grid=(B // blk,),
        in_specs=[
            pl.BlockSpec((blk, _VPAD), lambda i: (i, 0)),
            pl.BlockSpec((_VPAD, D), lambda i: (0, 0)),
        ],
        out_specs=pl.BlockSpec((blk, D), lambda i: (i, 0)),
        out_shape=jax.ShapeDtypeStruct((B, D), jnp.float32),
    )(counts, table_p)


def kernel(indices, table):
    _, L = indices.shape
    V, D = table.shape
    counts = _sc_counts(indices.astype(jnp.int32))
    table_p = jnp.zeros((_VPAD, D), table.dtype).at[:V, :].set(table)
    return _tc_combine(counts, table_p, 1.0 / L)

# --- scband reference (transcript-rebuilt; emitter-appended) ---
"""Pipeline reference for scband-layer-embedding-33002528702485 (READ-ONLY COPY).

The authoritative reference and input builder live on the scoring server;
editing this copy changes nothing except your own understanding.
"""

import jax, jax.numpy as jnp
import numpy as np

B = 16384
L = 200
VOCAB = 100
D = 64

def setup_inputs(seed: int = 0) -> dict:
    key = jax.random.key(seed)
    k1, k2 = jax.random.split(key)
    # forward arg: bag-of-layer-type indices (the string->index mapping is a constant
    # lookup in the original module; we feed the resulting indices directly)
    indices = jax.random.randint(k1, (B, L), 0, VOCAB)
    # learned parameter: EmbeddingBag weight table [100, embedding_dim]
    table = jax.random.normal(k2, (VOCAB, D), dtype=jnp.float32)
    return {"indices": indices, "table": table}

def reference(indices, table):
    # nn.EmbeddingBag with 2D input and default mode='mean':
    # gather rows then mean-reduce over the bag (last index) dimension.
    emb = jnp.take(table, indices, axis=0)  # [B, L, D]
    return jnp.mean(emb, axis=1)            # [B, D]

if __name__ == "__main__":
    import jax
    _d = setup_inputs()
    print(jax.jit(kernel)(*tuple(_d.values())))

</pallas_src>

<mosaic_0001>
#map = affine_map<(d0, d1) -> (0, 0)>
module attributes {stable_mosaic.version = 14 : i64} {
  func.func @counts_kernel(%arg0: i32, %arg1: i32, %arg2: memref<16384x200xi32, #tpu.memory_space<hbm>>, %arg3: memref<16384x128xf32, #tpu.memory_space<hbm>>, %arg4: memref<128x200xi32, #tpu.memory_space<vmem>>, %arg5: memref<128x200xi32, #tpu.memory_space<vmem>>, %arg6: memref<512x128xf32, #tpu.memory_space<vmem>>, %arg7: memref<!tpu.dma_semaphore, #tpu.memory_space<semaphore_mem>>, %arg8: memref<!tpu.dma_semaphore, #tpu.memory_space<semaphore_mem>>) attributes {dimension_semantics = [#tpu.dimension_semantics<core_parallel>, #tpu.dimension_semantics<subcore_parallel>], iteration_bounds = array<i64: 2, 16>, scalar_prefetch = 0 : i64, scratch_operands = 5 : i64, tpu.core_type = #tpu.core_type<sc_vector_subcore>, window_params = [{transform_indices = #map}, {transform_indices = #map}]} {
    %mul3A = arith.constant 2 : i32
    %mul3A_0 = arith.muli %arg1, %mul3A : i32
    %add3A = arith.addi %mul3A_0, %arg0 : i32
    %mul3A_1 = arith.constant 512 : i32
    %mul3A_2 = arith.muli %add3A, %mul3A_1 : i32
    %add3A_3 = arith.constant 0 : i32
    %add3A_4 = arith.addi %mul3A_2, %add3A_3 : i32
    %dma_start3A = arith.constant 0 : i32
    %dma_start3A_5 = tpu.memref_slice %arg2[%add3A_4, %dma_start3A] : memref<16384x200xi32, #tpu.memory_space<hbm>> -> memref<128x200xi32, #tpu.memory_space<hbm>>
    %dma_start3A_6 = arith.constant 0 : i32
    %dma_start3A_7 = tpu.memref_slice %arg2[%add3A_4, %dma_start3A_6] : memref<16384x200xi32, #tpu.memory_space<hbm>> -> memref<128x200xi32, #tpu.memory_space<hbm>>
    tpu.enqueue_dma source(%dma_start3A_7 : memref<128x200xi32, #tpu.memory_space<hbm>>) target(%arg4 : memref<128x200xi32, #tpu.memory_space<vmem>>) target_semaphore(%arg7 : memref<!tpu.dma_semaphore, #tpu.memory_space<semaphore_mem>>)
    %add3A_8 = arith.constant 128 : i32
    %add3A_9 = arith.addi %mul3A_2, %add3A_8 : i32
    %dma_start3A_10 = arith.constant 0 : i32
    %dma_start3A_11 = tpu.memref_slice %arg2[%add3A_9, %dma_start3A_10] : memref<16384x200xi32, #tpu.memory_space<hbm>> -> memref<128x200xi32, #tpu.memory_space<hbm>>
    %dma_start3A_12 = arith.constant 0 : i32
    %dma_start3A_13 = tpu.memref_slice %arg2[%add3A_9, %dma_start3A_12] : memref<16384x200xi32, #tpu.memory_space<hbm>> -> memref<128x200xi32, #tpu.memory_space<hbm>>
    tpu.enqueue_dma source(%dma_start3A_13 : memref<128x200xi32, #tpu.memory_space<hbm>>) target(%arg5 : memref<128x200xi32, #tpu.memory_space<vmem>>) target_semaphore(%arg8 : memref<!tpu.dma_semaphore, #tpu.memory_space<semaphore_mem>>)
    %iota3A = tpu.iota {dimensions = array<i32: 0>} : vector<16xi32>
    %broadcast_in_dim3A = arith.constant 1.000000e+00 : f32
    %broadcast_in_dim3A_14 = vector.broadcast %broadcast_in_dim3A : f32 to vector<16xf32>
    %broadcast_in_dim3A_15 = arith.constant 0.000000e+00 : f32
    %broadcast_in_dim3A_16 = vector.broadcast %broadcast_in_dim3A_15 : f32 to vector<16xf32>
    %parallel_loop3A = arith.constant 0 : i32
    %parallel_loop3A_17 = arith.constant 512 : i32
    %parallel_loop3A_18 = arith.constant 1 : i32
    scf.for %parallel_loop3A_69 = %parallel_loop3A to %parallel_loop3A_17 step %parallel_loop3A_18  : i32 {
      %parallel_loop3A_70 = arith.index_cast %parallel_loop3A_69 : i32 to index
      %parallel_loop3A_71 = arith.constant 0 : index
      %parallel_loop3A_72 = tpu.vector_load %arg6[%parallel_loop3A_70, %parallel_loop3A_71] {strides = array<i32>} : memref<512x128xf32, #tpu.memory_space<vmem>>, vector<16xf32>,
      tpu.vector_store %arg6[%parallel_loop3A_70, %parallel_loop3A_71], %broadcast_in_dim3A_16 {strides = array<i32>} : memref<512x128xf32, #tpu.memory_space<vmem>>, vector<16xf32>,
      %parallel_loop3A_73 = arith.index_cast %parallel_loop3A_69 : i32 to index
      %parallel_loop3A_74 = arith.constant 16 : index
      %parallel_loop3A_75 = tpu.vector_load %arg6[%parallel_loop3A_73, %parallel_loop3A_74] {strides = array<i32>} : memref<512x128xf32, #tpu.memory_space<vmem>>, vector<16xf32>,
      tpu.vector_store %arg6[%parallel_loop3A_73, %parallel_loop3A_74], %broadcast_in_dim3A_16 {strides = array<i32>} : memref<512x128xf32, #tpu.memory_space<vmem>>, vector<16xf32>,
      %parallel_loop3A_76 = arith.index_cast %parallel_loop3A_69 : i32 to index
      %parallel_loop3A_77 = arith.constant 32 : index
      %parallel_loop3A_78 = tpu.vector_load %arg6[%parallel_loop3A_76, %parallel_loop3A_77] {strides = array<i32>} : memref<512x128xf32, #tpu.memory_space<vmem>>, vector<16xf32>,
      tpu.vector_store %arg6[%parallel_loop3A_76, %parallel_loop3A_77], %broadcast_in_dim3A_16 {strides = array<i32>} : memref<512x128xf32, #tpu.memory_space<vmem>>, vector<16xf32>,
      %parallel_loop3A_79 = arith.index_cast %parallel_loop3A_69 : i32 to index
      %parallel_loop3A_80 = arith.constant 48 : index
      %parallel_loop3A_81 = tpu.vector_load %arg6[%parallel_loop3A_79, %parallel_loop3A_80] {strides = array<i32>} : memref<512x128xf32, #tpu.memory_space<vmem>>, vector<16xf32>,
      tpu.vector_store %arg6[%parallel_loop3A_79, %parallel_loop3A_80], %broadcast_in_dim3A_16 {strides = array<i32>} : memref<512x128xf32, #tpu.memory_space<vmem>>, vector<16xf32>,
      %parallel_loop3A_82 = arith.index_cast %parallel_loop3A_69 : i32 to index
      %parallel_loop3A_83 = arith.constant 64 : index
      %parallel_loop3A_84 = tpu.vector_load %arg6[%parallel_loop3A_82, %parallel_loop3A_83] {strides = array<i32>} : memref<512x128xf32, #tpu.memory_space<vmem>>, vector<16xf32>,
      tpu.vector_store %arg6[%parallel_loop3A_82, %parallel_loop3A_83], %broadcast_in_dim3A_16 {strides = array<i32>} : memref<512x128xf32, #tpu.memory_space<vmem>>, vector<16xf32>,
      %parallel_loop3A_85 = arith.index_cast %parallel_loop3A_69 : i32 to index
      %parallel_loop3A_86 = arith.constant 80 : index
      %parallel_loop3A_87 = tpu.vector_load %arg6[%parallel_loop3A_85, %parallel_loop3A_86] {strides = array<i32>} : memref<512x128xf32, #tpu.memory_space<vmem>>, vector<16xf32>,
      tpu.vector_store %arg6[%parallel_loop3A_85, %parallel_loop3A_86], %broadcast_in_dim3A_16 {strides = array<i32>} : memref<512x128xf32, #tpu.memory_space<vmem>>, vector<16xf32>,
      %parallel_loop3A_88 = arith.index_cast %parallel_loop3A_69 : i32 to index
      %parallel_loop3A_89 = arith.constant 96 : index
      %parallel_loop3A_90 = tpu.vector_load %arg6[%parallel_loop3A_88, %parallel_loop3A_89] {strides = array<i32>} : memref<512x128xf32, #tpu.memory_space<vmem>>, vector<16xf32>,
      tpu.vector_store %arg6[%parallel_loop3A_88, %parallel_loop3A_89], %broadcast_in_dim3A_16 {strides = array<i32>} : memref<512x128xf32, #tpu.memory_space<vmem>>, vector<16xf32>,
      %parallel_loop3A_91 = arith.index_cast %parallel_loop3A_69 : i32 to index
      %parallel_loop3A_92 = arith.constant 112 : index
      %parallel_loop3A_93 = tpu.vector_load %arg6[%parallel_loop3A_91, %parallel_loop3A_92] {strides = array<i32>} : memref<512x128xf32, #tpu.memory_space<vmem>>, vector<16xf32>,
      tpu.vector_store %arg6[%parallel_loop3A_91, %parallel_loop3A_92], %broadcast_in_dim3A_16 {strides = array<i32>} : memref<512x128xf32, #tpu.memory_space<vmem>>, vector<16xf32>,
    } {sc.loop_unroll_factor = 2 : i64, sc.parallel_access}
    %dma_wait3A = arith.constant 0 : i32
    %dma_wait3A_19 = tpu.memref_slice %arg2[%add3A_4, %dma_wait3A] : memref<16384x200xi32, #tpu.memory_space<hbm>> -> memref<128x200xi32, #tpu.memory_space<hbm>>
    %dma_wait3A_20 = arith.constant 0 : i32
    %dma_wait3A_21 = tpu.memref_slice %arg2[%add3A_4, %dma_wait3A_20] : memref<16384x200xi32, #tpu.memory_space<hbm>> -> memref<128x200xi32, #tpu.memory_space<hbm>>
    tpu.wait_dma2 semaphore(%arg7 : memref<!tpu.dma_semaphore, #tpu.memory_space<semaphore_mem>>) src(%dma_wait3A_21 : memref<128x200xi32, #tpu.memory_space<hbm>>) dst(%arg4 : memref<128x200xi32, #tpu.memory_space<vmem>>)
    %scan3A = arith.constant 0 : i32
    %scan3A_22 = arith.constant 0 : i32
    %scan3A_23 = arith.constant 8 : i32
    %scan3A_24 = arith.addi %scan3A_22, %scan3A_23 : i32
    %scan3A_25 = arith.constant 1 : i32
    scf.for %scan3A_69 = %scan3A_22 to %scan3A_24 step %scan3A_25  : i32 {
      %mul3A_70 = arith.constant 16 : i32
      %mul3A_71 = arith.muli %scan3A_69, %mul3A_70 : i32
      %add3A_72 = vector.broadcast %mul3A_71 : i32 to vector<16xi32>
      %add3A_73 = arith.addi %add3A_72, %iota3A : vector<16xi32>
      %add3A_74 = arith.constant 0 : i32
      %add3A_75 = vector.broadcast %add3A_74 : i32 to vector<16xi32>
      %add3A_76 = arith.addi %add3A_75, %add3A_73 : vector<16xi32>
      %parallel_loop3A_77 = arith.constant 0 : i32
      %parallel_loop3A_78 = arith.constant 200 : i32
      %parallel_loop3A_79 = arith.constant 1 : i32
      scf.for %parallel_loop3A_80 = %parallel_loop3A_77 to %parallel_loop3A_78 step %parallel_loop3A_79  : i32 {
        %parallel_loop3A_81 = vector.broadcast %parallel_loop3A_80 : i32 to vector<16xi32>
        %parallel_loop3A_82 = tpu.vector_load_idx %arg4[%add3A_73, %parallel_loop3A_81] : memref<128x200xi32, #tpu.memory_space<vmem>>[vector<16xi32>, vector<16xi32>], vector<16xi32>,
        tpu.vector_store_idx %arg6[%add3A_76, %parallel_loop3A_82], %broadcast_in_dim3A_14 {add = true} : memref<512x128xf32, #tpu.memory_space<vmem>>[vector<16xi32>, vector<16xi32>], vector<16xf32>,
      } {sc.loop_unroll_factor = 8 : i64, sc.parallel_access}
    }
    %scan3A_26 = arith.constant 8 : i32
    %add3A_27 = arith.constant 256 : i32
    %add3A_28 = arith.addi %mul3A_2, %add3A_27 : i32
    %dma_start3A_29 = arith.constant 0 : i32
    %dma_start3A_30 = tpu.memref_slice %arg2[%add3A_28, %dma_start3A_29] : memref<16384x200xi32, #tpu.memory_space<hbm>> -> memref<128x200xi32, #tpu.memory_space<hbm>>
    %dma_start3A_31 = arith.constant 0 : i32
    %dma_start3A_32 = tpu.memref_slice %arg2[%add3A_28, %dma_start3A_31] : memref<16384x200xi32, #tpu.memory_space<hbm>> -> memref<128x200xi32, #tpu.memory_space<hbm>>
    tpu.enqueue_dma source(%dma_start3A_32 : memref<128x200xi32, #tpu.memory_space<hbm>>) target(%arg4 : memref<128x200xi32, #tpu.memory_space<vmem>>) target_semaphore(%arg7 : memref<!tpu.dma_semaphore, #tpu.memory_space<semaphore_mem>>)
    %dma_wait3A_33 = arith.constant 0 : i32
    %dma_wait3A_34 = tpu.memref_slice %arg2[%add3A_9, %dma_wait3A_33] : memref<16384x200xi32, #tpu.memory_space<hbm>> -> memref<128x200xi32, #tpu.memory_space<hbm>>
    %dma_wait3A_35 = arith.constant 0 : i32
    %dma_wait3A_36 = tpu.memref_slice %arg2[%add3A_9, %dma_wait3A_35] : memref<16384x200xi32, #tpu.memory_space<hbm>> -> memref<128x200xi32, #tpu.memory_space<hbm>>
    tpu.wait_dma2 semaphore(%arg8 : memref<!tpu.dma_semaphore, #tpu.memory_space<semaphore_mem>>) src(%dma_wait3A_36 : memref<128x200xi32, #tpu.memory_space<hbm>>) dst(%arg5 : memref<128x200xi32, #tpu.memory_space<vmem>>)
    %scan3A_37 = arith.constant 0 : i32
    %scan3A_38 = arith.constant 0 : i32
    %scan3A_39 = arith.constant 8 : i32
    %scan3A_40 = arith.addi %scan3A_38, %scan3A_39 : i32
    %scan3A_41 = arith.constant 1 : i32
    scf.for %scan3A_69 = %scan3A_38 to %scan3A_40 step %scan3A_41  : i32 {
      %mul3A_70 = arith.constant 16 : i32
      %mul3A_71 = arith.muli %scan3A_69, %mul3A_70 : i32
      %add3A_72 = vector.broadcast %mul3A_71 : i32 to vector<16xi32>
      %add3A_73 = arith.addi %add3A_72, %iota3A : vector<16xi32>
      %add3A_74 = arith.constant 128 : i32
      %add3A_75 = vector.broadcast %add3A_74 : i32 to vector<16xi32>
      %add3A_76 = arith.addi %add3A_75, %add3A_73 : vector<16xi32>
      %parallel_loop3A_77 = arith.constant 0 : i32
      %parallel_loop3A_78 = arith.constant 200 : i32
      %parallel_loop3A_79 = arith.constant 1 : i32
      scf.for %parallel_loop3A_80 = %parallel_loop3A_77 to %parallel_loop3A_78 step %parallel_loop3A_79  : i32 {
        %parallel_loop3A_81 = vector.broadcast %parallel_loop3A_80 : i32 to vector<16xi32>
        %parallel_loop3A_82 = tpu.vector_load_idx %arg5[%add3A_73, %parallel_loop3A_81] : memref<128x200xi32, #tpu.memory_space<vmem>>[vector<16xi32>, vector<16xi32>], vector<16xi32>,
        tpu.vector_store_idx %arg6[%add3A_76, %parallel_loop3A_82], %broadcast_in_dim3A_14 {add = true} : memref<512x128xf32, #tpu.memory_space<vmem>>[vector<16xi32>, vector<16xi32>], vector<16xf32>,
      } {sc.loop_unroll_factor = 8 : i64, sc.parallel_access}
    }
    %scan3A_42 = arith.constant 8 : i32
    %add3A_43 = arith.constant 384 : i32
    %add3A_44 = arith.addi %mul3A_2, %add3A_43 : i32
    %dma_start3A_45 = arith.constant 0 : i32
    %dma_start3A_46 = tpu.memref_slice %arg2[%add3A_44, %dma_start3A_45] : memref<16384x200xi32, #tpu.memory_space<hbm>> -> memref<128x200xi32, #tpu.memory_space<hbm>>
    %dma_start3A_47 = arith.constant 0 : i32
    %dma_start3A_48 = tpu.memref_slice %arg2[%add3A_44, %dma_start3A_47] : memref<16384x200xi32, #tpu.memory_space<hbm>> -> memref<128x200xi32, #tpu.memory_space<hbm>>
    tpu.enqueue_dma source(%dma_start3A_48 : memref<128x200xi32, #tpu.memory_space<hbm>>) target(%arg5 : memref<128x200xi32, #tpu.memory_space<vmem>>) target_semaphore(%arg8 : memref<!tpu.dma_semaphore, #tpu.memory_space<semaphore_mem>>)
    %dma_wait3A_49 = arith.constant 0 : i32
    %dma_wait3A_50 = tpu.memref_slice %arg2[%add3A_28, %dma_wait3A_49] : memref<16384x200xi32, #tpu.memory_space<hbm>> -> memref<128x200xi32, #tpu.memory_space<hbm>>
    %dma_wait3A_51 = arith.constant 0 : i32
    %dma_wait3A_52 = tpu.memref_slice %arg2[%add3A_28, %dma_wait3A_51] : memref<16384x200xi32, #tpu.memory_space<hbm>> -> memref<128x200xi32, #tpu.memory_space<hbm>>
    tpu.wait_dma2 semaphore(%arg7 : memref<!tpu.dma_semaphore, #tpu.memory_space<semaphore_mem>>) src(%dma_wait3A_52 : memref<128x200xi32, #tpu.memory_space<hbm>>) dst(%arg4 : memref<128x200xi32, #tpu.memory_space<vmem>>)
    %scan3A_53 = arith.constant 0 : i32
    %scan3A_54 = arith.constant 0 : i32
    %scan3A_55 = arith.constant 8 : i32
    %scan3A_56 = arith.addi %scan3A_54, %scan3A_55 : i32
    %scan3A_57 = arith.constant 1 : i32
    scf.for %scan3A_69 = %scan3A_54 to %scan3A_56 step %scan3A_57  : i32 {
      %mul3A_70 = arith.constant 16 : i32
      %mul3A_71 = arith.muli %scan3A_69, %mul3A_70 : i32
      %add3A_72 = vector.broadcast %mul3A_71 : i32 to vector<16xi32>
      %add3A_73 = arith.addi %add3A_72, %iota3A : vector<16xi32>
      %add3A_74 = arith.constant 256 : i32
      %add3A_75 = vector.broadcast %add3A_74 : i32 to vector<16xi32>
      %add3A_76 = arith.addi %add3A_75, %add3A_73 : vector<16xi32>
      %parallel_loop3A_77 = arith.constant 0 : i32
      %parallel_loop3A_78 = arith.constant 200 : i32
      %parallel_loop3A_79 = arith.constant 1 : i32
      scf.for %parallel_loop3A_80 = %parallel_loop3A_77 to %parallel_loop3A_78 step %parallel_loop3A_79  : i32 {
        %parallel_loop3A_81 = vector.broadcast %parallel_loop3A_80 : i32 to vector<16xi32>
        %parallel_loop3A_82 = tpu.vector_load_idx %arg4[%add3A_73, %parallel_loop3A_81] : memref<128x200xi32, #tpu.memory_space<vmem>>[vector<16xi32>, vector<16xi32>], vector<16xi32>,
        tpu.vector_store_idx %arg6[%add3A_76, %parallel_loop3A_82], %broadcast_in_dim3A_14 {add = true} : memref<512x128xf32, #tpu.memory_space<vmem>>[vector<16xi32>, vector<16xi32>], vector<16xf32>,
      } {sc.loop_unroll_factor = 8 : i64, sc.parallel_access}
    }
    %scan3A_58 = arith.constant 8 : i32
    %dma_wait3A_59 = arith.constant 0 : i32
    %dma_wait3A_60 = tpu.memref_slice %arg2[%add3A_44, %dma_wait3A_59] : memref<16384x200xi32, #tpu.memory_space<hbm>> -> memref<128x200xi32, #tpu.memory_space<hbm>>
    %dma_wait3A_61 = arith.constant 0 : i32
    %dma_wait3A_62 = tpu.memref_slice %arg2[%add3A_44, %dma_wait3A_61] : memref<16384x200xi32, #tpu.memory_space<hbm>> -> memref<128x200xi32, #tpu.memory_space<hbm>>
    tpu.wait_dma2 semaphore(%arg8 : memref<!tpu.dma_semaphore, #tpu.memory_space<semaphore_mem>>) src(%dma_wait3A_62 : memref<128x200xi32, #tpu.memory_space<hbm>>) dst(%arg5 : memref<128x200xi32, #tpu.memory_space<vmem>>)
    %scan3A_63 = arith.constant 0 : i32
    %scan3A_64 = arith.constant 0 : i32
    %scan3A_65 = arith.constant 8 : i32
    %scan3A_66 = arith.addi %scan3A_64, %scan3A_65 : i32
    %scan3A_67 = arith.constant 1 : i32
    scf.for %scan3A_69 = %scan3A_64 to %scan3A_66 step %scan3A_67  : i32 {
      %mul3A_70 = arith.constant 16 : i32
      %mul3A_71 = arith.muli %scan3A_69, %mul3A_70 : i32
      %add3A_72 = vector.broadcast %mul3A_71 : i32 to vector<16xi32>
      %add3A_73 = arith.addi %add3A_72, %iota3A : vector<16xi32>
      %add3A_74 = arith.constant 384 : i32
      %add3A_75 = vector.broadcast %add3A_74 : i32 to vector<16xi32>
      %add3A_76 = arith.addi %add3A_75, %add3A_73 : vector<16xi32>
      %parallel_loop3A_77 = arith.constant 0 : i32
      %parallel_loop3A_78 = arith.constant 200 : i32
      %parallel_loop3A_79 = arith.constant 1 : i32
      scf.for %parallel_loop3A_80 = %parallel_loop3A_77 to %parallel_loop3A_78 step %parallel_loop3A_79  : i32 {
        %parallel_loop3A_81 = vector.broadcast %parallel_loop3A_80 : i32 to vector<16xi32>
        %parallel_loop3A_82 = tpu.vector_load_idx %arg5[%add3A_73, %parallel_loop3A_81] : memref<128x200xi32, #tpu.memory_space<vmem>>[vector<16xi32>, vector<16xi32>], vector<16xi32>,
        tpu.vector_store_idx %arg6[%add3A_76, %parallel_loop3A_82], %broadcast_in_dim3A_14 {add = true} : memref<512x128xf32, #tpu.memory_space<vmem>>[vector<16xi32>, vector<16xi32>], vector<16xf32>,
      } {sc.loop_unroll_factor = 8 : i64, sc.parallel_access}
    }
    %scan3A_68 = arith.constant 8 : i32
    "tpu.region"() ({
      %run_scoped3A = tpu.sem_alloc : memref<!tpu.dma_semaphore, #tpu.memory_space<semaphore_mem>>
      %dma_start3A_69 = arith.constant 0 : i32
      %dma_start3A_70 = tpu.memref_slice %arg3[%mul3A_2, %dma_start3A_69] : memref<16384x128xf32, #tpu.memory_space<hbm>> -> memref<512x128xf32, #tpu.memory_space<hbm>>
      %dma_start3A_71 = arith.constant 0 : i32
      %dma_start3A_72 = tpu.memref_slice %arg3[%mul3A_2, %dma_start3A_71] : memref<16384x128xf32, #tpu.memory_space<hbm>> -> memref<512x128xf32, #tpu.memory_space<hbm>>
      tpu.enqueue_dma source(%arg6 : memref<512x128xf32, #tpu.memory_space<vmem>>) target(%dma_start3A_72 : memref<512x128xf32, #tpu.memory_space<hbm>>) target_semaphore(%run_scoped3A : memref<!tpu.dma_semaphore, #tpu.memory_space<semaphore_mem>>)
      %dma_wait3A_73 = arith.constant 0 : i32
      %dma_wait3A_74 = tpu.memref_slice %arg3[%mul3A_2, %dma_wait3A_73] : memref<16384x128xf32, #tpu.memory_space<hbm>> -> memref<512x128xf32, #tpu.memory_space<hbm>>
      %dma_wait3A_75 = arith.constant 0 : i32
      %dma_wait3A_76 = tpu.memref_slice %arg3[%mul3A_2, %dma_wait3A_75] : memref<16384x128xf32, #tpu.memory_space<hbm>> -> memref<512x128xf32, #tpu.memory_space<hbm>>
      tpu.wait_dma2 semaphore(%run_scoped3A : memref<!tpu.dma_semaphore, #tpu.memory_space<semaphore_mem>>) src(%arg6 : memref<512x128xf32, #tpu.memory_space<vmem>>) dst(%dma_wait3A_76 : memref<512x128xf32, #tpu.memory_space<hbm>>)
      tpu.yield
    }) : () -> ()
    return
  }
}

module attributes {stable_mosaic.version = 14 : i64} {
  func.func @mm(%arg0: i32, %arg1: memref<2048x128xf32, #tpu.memory_space<vmem>>, %arg2: memref<128x64xf32, #tpu.memory_space<vmem>>, %arg3: memref<2048x64xf32, #tpu.memory_space<vmem>>) attributes {dimension_semantics = [#tpu.dimension_semantics<arbitrary>], iteration_bounds = array<i64: 8>, scalar_prefetch = 0 : i64, scratch_operands = 0 : i64, tpu.core_type = #tpu.core_type<tc>, window_params = [{transform_indices = @transform_0, window_bounds = array<i64: 2048, 128>}, {pipeline_mode = #tpu.pipeline_mode<synchronous>, transform_indices = @transform_1, window_bounds = array<i64: 128, 64>}, {transform_indices = @transform_2, window_bounds = array<i64: 2048, 64>}]} {
    %get3A = arith.constant 0 : index
    %get3A_0 = arith.constant 0 : index
    %get3A_1 = vector.load %arg1[%get3A, %get3A_0] : memref<2048x128xf32, #tpu.memory_space<vmem>>, vector<2048x128xf32>
    %get3A_2 = arith.constant 0 : index
    %get3A_3 = arith.constant 0 : index
    %get3A_4 = vector.load %arg2[%get3A_2, %get3A_3] : memref<128x64xf32, #tpu.memory_space<vmem>>, vector<128x64xf32>
    %dot_general3A = arith.constant dense<0.000000e+00> : vector<2048x64xf32>
    %dot_general3A_5 = tpu.matmul %get3A_1, %get3A_4, %dot_general3A {dimension_numbers = #tpu.dot_dimension_numbers<[1], [0], [0], [1], [0, 0, 1, 1], [], []>, transpose_lhs_hint = false} : vector<2048x128xf32>, vector<128x64xf32>, vector<2048x64xf32> -> vector<2048x64xf32>
    %mul3A = arith.constant 5.000000e-03 : f32
    %mul3A_6 = vector.broadcast %mul3A : f32 to vector<2048x64xf32>
    %mul3A_7 = arith.mulf %dot_general3A_5, %mul3A_6 : vector<2048x64xf32>
    %swap3A = arith.constant 0 : index
    %swap3A_8 = arith.constant 0 : index
    %swap3A_9 = vector.load %arg3[%swap3A, %swap3A_8] : memref<2048x64xf32, #tpu.memory_space<vmem>>, vector<2048x64xf32>
    tpu.vector_store %arg3[%swap3A, %swap3A_8], %mul3A_7 {strides = array<i32>} : memref<2048x64xf32, #tpu.memory_space<vmem>>, vector<2048x64xf32>,
    return
  }
  func.func @transform_0(%arg0: i32) -> (i32, i32) {
    %c0_i32 = arith.constant 0 : i32
    %c0_i32_0 = arith.constant 0 : i32
    return %arg0, %c0_i32 : i32, i32
  }
  func.func @transform_1(%arg0: i32) -> (i32, i32) {
    %c0_i32 = arith.constant 0 : i32
    %c0_i32_0 = arith.constant 0 : i32
    %c0_i32_1 = arith.constant 0 : i32
    return %c0_i32, %c0_i32_0 : i32, i32
  }
  func.func @transform_2(%arg0: i32) -> (i32, i32) {
    %c0_i32 = arith.constant 0 : i32
    %c0_i32_0 = arith.constant 0 : i32
    return %arg0, %c0_i32 : i32, i32
  }
}

</mosaic_0001>

<sc_bundles>
// kernel: kernel.4.cloned.1.call-start
scs
__scs_entry_jumppad:
0x0: {  	(pc) =	sbr.rel $0x88, $3  }
0x1: {  	(tag) =	ssettag $0x0;
	lr =	simm.s32 $0x1  }
0x2: {  	[smem:$0x3F9F] =	sst lr;
	_ =	strace $0xD0000000  }
0x3: {  	_ = 	snop  }
0x4: {  	_ = 	snop  }
0x5: {  	_ = 	snop  }
0x6: {  	_ = 	snop  }
0x7: {  	_ = 	snop  }
__scs_overlays_trampoline_lowered:
0x8: {  	[smem:$0x3FAE] =	sst s0  }
0x9: {  	[smem:$0x3FAF] =	sst s1  }
0xa: {  	[smem:$0x3FB0] =	sst s2  }
0xb: {  	[smem:$0x3FB1] =	sst s3  }
0xc: {  	[smem:$0x3FB2] =	sst s4  }
0xd: {  	[smem:$0x3FB3] =	sst s5  }
0xe: {  	[smem:$0x3FB4] =	sst s6  }
0xf: {  	[smem:$0x3FB5] =	sst s7  }
0x10: {  	[smem:$0x3FB6] =	sst s8  }
0x11: {  	[smem:$0x3FB7] =	sst s9;
	s0 =	simm.s32 @!p0 $0x0  }
0x12: {  	s1 =	sld [smem:$0x3F9D];
	s0 =	simm.s32 @p0 $0x1  }
0x13: {  	[smem:$0x3FB8] =	sst s0;
	s0 =	simm.s32 @!p1 $0x0  }
0x14: {  	s2 =	sld [smem:$0x3F9C];
	s0 =	simm.s32 @p1 $0x1  }
0x15: {  	[smem:$0x3FB9] =	sst s0;
	s0 =	simm.s32 @!p2 $0x0  }
0x16: {  	s3 =	sld [smem:$0x3FDB];
	s0 =	simm.s32 @p2 $0x1  }
0x17: {  	s4 =	simm.s32 $0x1BF5;
	[smem:$0x3FBB] =	sst s0  }
0x18: {  	s0 =	sld [smem:$0x3F9E];
	_ =	swait.ge [sflag:s4], $0x0  }
0x19: {  	s7 =	sld [smem:$0x3F9F]  }
0x1a: {  	s8 =	sadd.s32 $0xFFFFE003, lr  }
0x1b: {  	s9 =	sadd.s32 $0xFFFFFEF7, lr;
	s5 =	simm.s32 $0xFFFFFFFF;
	p2 =	slt.u32 s8, $0xFFFFF086  }
0x1c: {  	p1 =	slt.u32 s9, $0xF7A;
	s5 =	simm.s32 @!p2 $0x0  }
0x1d: {  	s5 =	simm.s32 @p1 $0x1;
	p0 =	seq.s32 s7, s2  }
0x1e: {  	s7 =	smul.u32 @!p0 $0xF7A, s2;
	p2 =	seq.s32 @!p0 s5, $0x0  }
0x1f: {  	s9 =	smul.u32 $0xF7A, s1;
	s8 =	simm.s32 @!p0 $0x1BF5;
	p2 =	por !p2, p0  }
0x20: {  	[sflag:s8] =	ssyncset.s32 @!p0 $0xFFFFF086;
	s6 =	sadd.s32 @!p0 s3, s7;
	s7 =	simm.s32 @!p0 $0x108  }
0x21: {  	s3 =	sadd.s32 s3, s9;
	s6 =	sadd.s32 @!p0 $0x88, s6;
	s7 =	simm.s32 @p2 $0x1082  }
0x22: {  	[simem:s7], [sflag:s8] =	dma.local @!p0 [hbm:s6], $0xF7A  }
0x23: {  	s9 =	sor.u32 $0xD0000000, s2;
	s6 =	simm.s32 $0x108;
	_ =	swait.ge @!p0 [sflag:s8], $0x0  }
0x24: {  	s3 =	sadd.s32 $0x88, s3;
	s6 =	simm.s32 @!p1 $0x1082;
	[sflag:s4] =	ssyncset.s32 $0xFFFFF086  }
0x25: {  	[simem:s6], [sflag:s4] =	dma.local [hbm:s3], $0xF7A  }
0x26: {  	[smem:$0x3F9F] =	sst s1;
	(tag) =	ssettag s2;
	_ =	strace s9  }
0x27: {  	s1 =	sld [smem:$0x3FAF]  }
0x28: {  	s2 =	sld [smem:$0x3FB0]  }
0x29: {  	s4 =	sld [smem:$0x3FB2]  }
0x2a: {  	p0 =	seq.s32 s5, $0x0;
	s5 =	sld [smem:$0x3FB3]  }
0x2b: {  	s6 =	sld [smem:$0x3FB4]  }
0x2c: {  	s7 =	sld [smem:$0x3FB5]  }
0x2d: {  	s3 =	simm.s32 $0x108;
	s8 =	sld [smem:$0x3FB6]  }
0x2e: {  	s3 =	simm.s32 @!p0 $0x1082;
	s9 =	sld [smem:$0x3FB7]  }
0x2f: {  	lr =	sadd.s32 s0, s3;
	s0 =	sld [smem:$0x3FAE]  }
0x30: {  	s3 =	sld [smem:$0x3FB1]  }
0x31: {  	[smem:$0x3FBA] =	sst s10  }
0x32: {  	s10 =	sld [smem:$0x3FB8];
	_ =	sdelay $0x3  }
0x33: {  	p0 =	seq.s32 s10, $0x1;
	s10 =	sld [smem:$0x3FBA];
	_ =	sdelay $0x3  }
0x34: {  	[smem:$0x3FBA] =	sst s10  }
0x35: {  	s10 =	sld [smem:$0x3FB9];
	_ =	sdelay $0x3  }
0x36: {  	p1 =	seq.s32 s10, $0x1;
	s10 =	sld [smem:$0x3FBA];
	_ =	sdelay $0x3  }
0x37: {  	[smem:$0x3FBA] =	sst s10  }
0x38: {  	s10 =	sld [smem:$0x3FBB]  }
0x39: {  	_ = 	snop;
	(pc) =	sbr.ind lr, $3  }
0x3a: {  	_ = 	snop  }
0x3b: {  	_ = 	snop  }
0x3c: {  	p2 =	seq.s32 s10, $0x1;
	s10 =	sld [smem:$0x3FBA]  }
0x3d: {  	_ =	shalt  }
0x3e: {  	_ =	shalt  }
0x3f: {  	_ =	shalt  }
0x40: {  	_ =	shalt  }
0x41: {  	_ =	shalt  }
0x42: {  	_ =	shalt  }
0x43: {  	_ =	shalt  }
0x44: {  	_ =	shalt  }
0x45: {  	_ =	shalt  }
0x46: {  	_ =	shalt  }
0x47: {  	_ =	shalt  }
0x48: {  	_ =	shalt  }
0x49: {  	_ =	shalt  }
0x4a: {  	_ =	shalt  }
0x4b: {  	_ =	shalt  }
0x4c: {  	_ =	shalt  }
0x4d: {  	_ =	shalt  }
0x4e: {  	_ =	shalt  }
0x4f: {  	_ =	shalt  }
0x50: {  	_ =	shalt  }
0x51: {  	_ =	shalt  }
0x52: {  	_ =	shalt  }
0x53: {  	_ =	shalt  }
0x54: {  	_ =	shalt  }
0x55: {  	_ =	shalt  }
0x56: {  	_ =	shalt  }
0x57: {  	_ =	shalt  }
0x58: {  	_ =	shalt  }
0x59: {  	_ =	shalt  }
0x5a: {  	_ =	shalt  }
0x5b: {  	_ =	shalt  }
0x5c: {  	_ =	shalt  }
0x5d: {  	_ =	shalt  }
0x5e: {  	_ =	shalt  }
0x5f: {  	_ =	shalt  }
0x60: {  	_ =	shalt  }
0x61: {  	_ =	shalt  }
0x62: {  	_ =	shalt  }
0x63: {  	_ =	shalt  }
0x64: {  	_ =	shalt  }
0x65: {  	_ =	shalt  }
0x66: {  	_ =	shalt  }
0x67: {  	_ =	shalt  }
0x68: {  	_ =	shalt  }
0x69: {  	_ =	shalt  }
0x6a: {  	_ =	shalt  }
0x6b: {  	_ =	shalt  }
0x6c: {  	_ =	shalt  }
0x6d: {  	_ =	shalt  }
0x6e: {  	_ =	shalt  }
0x6f: {  	_ =	shalt  }
0x70: {  	_ =	shalt  }
0x71: {  	_ =	shalt  }
0x72: {  	_ =	shalt  }
0x73: {  	_ =	shalt  }
0x74: {  	_ =	shalt  }
0x75: {  	_ =	shalt  }
0x76: {  	_ =	shalt  }
0x77: {  	_ =	shalt  }
0x78: {  	_ =	shalt  }
0x79: {  	_ =	shalt  }
0x7a: {  	_ =	shalt  }
0x7b: {  	_ =	shalt  }
0x7c: {  	_ =	shalt  }
0x7d: {  	_ =	shalt  }
0x7e: {  	_ =	shalt  }
0x7f: {  	_ =	shalt  }
0x80: {  	_ =	shalt  }
0x81: {  	_ =	shalt  }
0x82: {  	_ =	shalt  }
0x83: {  	_ =	shalt  }
0x84: {  	_ =	shalt  }
0x85: {  	_ =	shalt  }
0x86: {  	_ =	shalt  }
0x87: {  	_ =	shalt  }
.Lfunc_end0:
.L_simem_size_0:
called_computation_lowered:
.L_overlay_start_0:
0x88: {  	s2 =	sld [smem:$0x3FD9]  }
0x89: {  	s3 =	sld [smem:$0x3FFE];
	_ =	sdelay $0x1  }
0x8a: {  	s1 =	srdreg.scid  }
0x8b: {  	s0 =	sand.u32 $0x1, s1  }
0x8c: {  	s16 =	sshll.u32 s0, $0xA;
	s2 =	sadd.s32 s3, s2  }
0x8d: {  	s2 =	sadd.s32 s2, s16  }
0x8e: {  	[smem:$0x3FC6] =	sst s2  }
0x8f: {  	_ = 	snop  }
0x90: {  	(tm) =	ssettm $0x1  }
0x91: {  	s17 =	sld [smem:$0x3FFB];
	_ =	sdelay $0x3  }
0x92: {  	_ =	strace s17  }
0x93: {  	s2 =	sld [smem:$0x3FFC];
	_ =	sdelay $0x3  }
0x94: {  	_ =	strace s2  }
0x95: {  	s2 =	sld [smem:$0x3FFD];
	_ =	sdelay $0x3  }
0x96: {  	_ =	strace s2  }
0x97: {  	_ =	strace $0x8FFFFFFF  }
0x98: {  	s18 =	sld [smem:$0x3FDB];
	_ =	sdelay $0x1  }
0x99: {  	s19 =	simm.s32 $_scs_section_size  }
0x9a: {  	s4 =	simm.s32 $_size__tile_overlayer_lowered;
	s5 =	simm.s32 $_tile_overlayer_lowered  }
0x9b: {  	s22 =	simm.s32 $0x1BFF;
	s21 =	sshll.u32 s5, $0x1;
	s2 =	sadd.s32 s19, s18  }
0x9c: {  	s6 =	simm.s32 $0x0;
	s20 =	sshll.u32 s4, $0x1;
	s4 =	sadd.s32 s21, s2  }
0x9d: {  	[timem:s6], [sflag:s22] =	dma.local [hbm:s4], s20  }
0x9e: {  	_ =	swait.ge [sflag:s22], s20  }
0x9f: {  	s3 =	ssub.s32 $0x0, s20;
	[sflag:s22] =	ssyncset.done $0x0  }
0xa0: {  	[sflag:s22] =	ssyncadd.s32 s3;
	_ =	sdelay $0x1  }
0xa1: {  	s23 =	simm.s32 $0x1B8B  }
0xa2: {  	_ =	swait.ge [sflag:s23], $0x1  }
0xa3: {  	[sflag:s23] =	ssyncset.done $0x0  }
0xa4: {  	s25 =	simm.s32 $0x1B8E;
	s24 =	sld [smem:$0x3FFE];
	[sflag:s23] =	ssyncadd.s32 $0xFFFFFFFF  }
0xa5: {  	s26 =	simm.s32 $execute0_lowered;
	[smem:$0x3FD2] =	sst s25  }
0xa6: {  	s4 =	sshll.u32 s26, $0x1;
	_ =	strace $0x80000046;
	[dreg:$0x1] =	wrdreg $0xFFFFFFFF  }
0xa7: {  	s28 =	simm.s32 $_size_execute0_lowered;
	s2 =	sadd.s32 s2, s4;
	[dreg:$0x0] =	wrdreg $0x0  }
0xa8: {  	s4 =	sshll.u32 s28, $0x1;
	[dreg:$0x2] =	wrdreg s2  }
0xa9: {  	[dreg:$0x3] =	wrdreg s4  }
0xaa: {  	[dreg:$0x4] =	wrdreg $0xC0  }
0xab: {  	_ =	task [dreg:s6], $0x5FFFF  }
0xac: {  	[dreg:$0x1] =	wrdreg $0xFFFFFFFF  }
0xad: {  	[dreg:$0x0] =	wrdreg $0x60  }
0xae: {  	[dreg:$0x2] =	wrdreg s24  }
0xaf: {  	[dreg:$0x3] =	wrdreg $0x9  }
0xb0: {  	_ =	task.clear_ibuf [dreg:s6], $0x4FFFF;
	_ =	strace $0x90000046  }
0xb1: {  	s29 =	simm.s32 $0x9;
	_ =	strace $0x80000048  }
0xb2: {  	_ =	swait.ge [sflag:s29], $0x1  }
0xb3: {  	[sflag:s29] =	ssyncadd.s32 $0xFFFFFFFF  }
0xb4: {  	_ =	strace $0x90000048  }
0xb5: {  	_ =	sfence  }
0xb6: {  	s30 =	sld [smem:$0x0];
	_ =	sdelay $0x2  }
0xb7: {  	s31 =	sshll.u32 s1, $0xD;
	s1 =	sshrl.u32 s1, $0x2  }
0xb8: {  	s3 =	sand.u32 $0x4000, s31;
	s1 =	sadd.s32 s1, s30  }
0xb9: {  	s0 =	sor.u32 s3, s0;
	s1 =	sshll.u32 s1, $0x11  }
0xba: {  	s0 =	sor.u32 s1, s0  }
0xbb: {  	s0 =	sadd.s32 $0x8F2B, s0  }
0xbc: {  	[sflag:s0] =	ssyncadd.remote.s32 $0x1  }
0xbd: {  	_ =	sfence.sel $0xFFFF  }
0xbe: {  	[dreg:$0x0] =	wrdreg $0xFFFFFFFF;
	(pc) =	sbr.abs _section_cstart, $3  }
0xbf: {  	[dreg:$0x1] =	wrdreg $0xFFFFFFFF  }
0xc0: {  	_ =	task.clear_ibuf [dreg:s6], $0x2FFFF;
	_ =	strace $0x9FFFFFFF  }
0xc1: {  	(tm) =	ssettm $0x7FFFFFFF  }
tec
execute0_lowered:
.L_overlay_start_1:
0x0: {  	(tag) =	ssettag $0x1  }
0x1: {  	s3 =	rddreg [dreg:$0x0]  }
0x2: {  	s2 =	srdreg.scid;
	s0 =	rddreg [dreg:$0x1]  }
0x3: {  	s1 =	stileid.u32;
	s10 =	simm.s32 $0x1;
	s11 =	simm.s32 $0xC800  }
0x4: {  	s12 =	simm.s32 $0x2;
	s13 =	simm.s32 $0x3;
	s4 =	sand.u32 $0x1, s2  }
0x5: {  	s14 =	simm.s32 $0x0;
	s5 =	sshll.u32 s1, $0xA;
	s6 =	sshll.u32 s4, $0x9  }
0x6: {  	v0 =	vlaneseq.u32;
	s2 =	simm.s32 $0x0;
	s7 =	sadd.s32 $0x800, s3;
	s5 =	sor.u32 s6, s5  }
0x7: {  	v13 =	vmul.u32 $0x80, v0;
	[smem:$0x7FF] =	sst s2;
	s4 =	ssub.s32 $0x2, s4;
	s6 =	smul.u32 $0xC8, s5  }
0x8: {  	v1 =	vmul.u32 $0xC8, v0;
	s9 =	sshrl.u32 s4, $0x1;
	s8 =	sshll.u32 s5, $0x4;
	s5 =	smul.u32 $0x19, s5  }
0x9: {  	v2 =	vimm.f32 $0.0e+00;
	v3 =	vimm.f32 $1.000000000e+00;
	_ =	strace $0x80000047;
	v4 =	vor.u32 $0x4000, v13;
	s9 =	ssub.s32 s4, s9;
	s6 =	sshrl.u32 s6, $0x3  }
0xa: {  	v5 =	vor.u32 $0x1, v1;
	v6 =	vor.u32 $0x2, v1;
	v7 =	vor.u32 $0x3, v1;
	s8 =	sadd.s32 s8, s3;
	s3 =	sadd.s32 s7, s5;
	s6 =	sadd.s32 s7, s6  }
0xb: {  	v8 =	vor.u32 $0x4, v1;
	v9 =	vor.u32 $0x5, v1;
	v10 =	vor.u32 $0x6, v1;
	s7 =	sadd.s32 $0x64800, s8;
	s8 =	smax.u32 s9, $0x1;
	s9 =	simm.s32 $0x6400  }
0xc: {  	v11 =	vor.u32 $0x7, v1;
	v12 =	vor.u32 $0x8000, v13;
	v13 =	vor.u32 $0xC000, v13;
	s4 =	sadd.s32 $0xC80, s6;
	s5 =	sadd.s32 $0x1900, s6;
	s6 =	sadd.s32 $0x2580, s6  }
.LBB2_1:
0xd: {  	[tilespmem:s2], [sflag:$0x1] =	stream.linear.gather [hbm4b:s3+s2], $0x6400, $0x38;
	[tilespmem:$0x1C800] =	vst v63  }
0xe: {  	s15 =	simm.s32 $0xC880  }
0xf: {  	[tilespmem:s9], [sflag:$0x2] =	stream.linear.gather [hbm4b:s4+s2], $0x6400, $0x38;
	[tilespmem:$0x1C800] =	vst v63  }
0x10: {  	[tilespmem:s15+$0xFFFFFF80] =	vst v2  }
0x11: {  	[tilespmem:s15+$0x70] =	vst v2  }
0x12: {  	[tilespmem:s15+$0x60] =	vst v2  }
0x13: {  	[tilespmem:s15+$0x50] =	vst v2  }
0x14: {  	[tilespmem:s15+$0x40] =	vst v2  }
0x15: {  	[tilespmem:s15+$0x30] =	vst v2  }
0x16: {  	[tilespmem:s15+$0x20] =	vst v2  }
0x17: {  	[tilespmem:s15+$0x10] =	vst v2  }
0x18: {  	[tilespmem:s15+$0x0] =	vst v2  }
0x19: {  	[tilespmem:s15+$0xFFFFFFF0] =	vst v2  }
0x1a: {  	[tilespmem:s15+$0xFFFFFFE0] =	vst v2  }
0x1b: {  	[tilespmem:s15+$0xFFFFFFD0] =	vst v2  }
0x1c: {  	[tilespmem:s15+$0xFFFFFFC0] =	vst v2  }
0x1d: {  	[tilespmem:s15+$0xFFFFFFB0] =	vst v2  }
0x1e: {  	s16 =	simm.s32 $0x0;
	[tilespmem:s15+$0xFFFFFFA0] =	vst v2  }
.LBB2_2:
0x1f: {  	s16 =	sadd.s32 $0x2, s16;
	[tilespmem:s15+$0xFFFFFF90] =	vst v2;
	s15 =	sadd.s32 $0x100, s15  }
0x20: {  	[tilespmem:s15+$0xFFFFFF80] =	vst v2;
	p0 =	slt.u32 s16, $0x1FE  }
0x21: {  	[tilespmem:s15+$0x70] =	vst v2  }
0x22: {  	[tilespmem:s15+$0x60] =	vst v2  }
0x23: {  	[tilespmem:s15+$0x50] =	vst v2  }
0x24: {  	[tilespmem:s15+$0x40] =	vst v2  }
0x25: {  	[tilespmem:s15+$0x30] =	vst v2  }
0x26: {  	[tilespmem:s15+$0x20] =	vst v2  }
0x27: {  	[tilespmem:s15+$0x10] =	vst v2  }
0x28: {  	[tilespmem:s15+$0x0] =	vst v2  }
0x29: {  	[tilespmem:s15+$0xFFFFFFF0] =	vst v2  }
.Ltmp0:
0x2a: {  	[tilespmem:s15+$0xFFFFFFE0] =	vst v2;
	(pc) =	sbr.rel @p0 .LBB2_2-.Ltmp0, $4  }
0x2b: {  	[tilespmem:s15+$0xFFFFFFD0] =	vst v2  }
0x2c: {  	[tilespmem:s15+$0xFFFFFFC0] =	vst v2  }
0x2d: {  	[tilespmem:s15+$0xFFFFFFB0] =	vst v2  }
0x2e: {  	[tilespmem:s15+$0xFFFFFFA0] =	vst v2  }
0x2f: {  	[tilespmem:s15+$0xFFFFFF90] =	vst v2  }
0x30: {  	_ =	swait.ge [sflag:s10], $0x6400  }
0x31: {  	[sflag:s10] =	ssyncset.done $0x0  }
0x32: {  	s15 =	simm.s32 $0x0;
	[sflag:s10] =	ssyncadd.s32 $0xFFFF9C00  }
.LBB2_4:
0x33: {  	s16 =	simm.s32 $0x0  }
0x34: {  	v14 =	vmov s16  }
0x35: {  	s31 =	sshll.u32 s15, $0x4;
	v14 =	vshrl.u32 v14, $0x3  }
0x36: {  	v23 =	vor.u32 s31, v0;
	v14 =	vshll.u32 v14, $0x3  }
0x37: {  	v15 =	vmul.u32 $0xC8, v23;
	v24 =	vbroadcast v14, $0x0;
	_ =	sdelay $0x1  }
0x38: {  	v16 =	vor.u32 $0x1, v15;
	v14 =	vadd.s32 v15, v24  }
0x39: {  	v17 =	vor.u32 $0x4, v15;
	v20 =	vadd.s32 v16, v24  }
0x3a: {  	v18 =	vor.u32 $0x7, v15;
	v25 =	vadd.s32 v17, v24  }
0x3b: {  	s16 =	simm.s32 $0x8;
	v26 =	vadd.s32 v18, v24  }
0x3c: {  	v30 =	vmov s16;
	v19 =	vor.u32 $0x3, v15  }
0x3d: {  	v30 =	vshrl.u32 v30, $0x3;
	v28 =	vadd.s32 v19, v24;
	v27 =	vld.idx.msk [tilespmem:v14+s2+$0x0], $0xffff  }
0x3e: {  	v30 =	vshll.u32 v30, $0x3;
	v29 =	vld.idx.msk [tilespmem:v20+s2+$0x0], $0xffff  }
0x3f: {  	v22 =	vor.u32 $0x6, v15;
	v30 =	vbroadcast v30, $0x0;
	v25 =	vld.idx.msk [tilespmem:v25+s2+$0x0], $0xffff  }
0x40: {  	v20 =	vor.u32 $0x2, v15;
	v14 =	vshll.u32 v23, $0x7;
	v23 =	vadd.s32 v22, v24;
	v26 =	vld.idx.msk [tilespmem:v26+s2+$0x0], $0xffff  }
0x41: {  	v21 =	vor.u32 $0x5, v15;
	v31 =	vadd.s32 v20, v24  }
0x42: {  	v33 =	vadd.s32 v15, v30;
	v28 =	vld.idx.msk [tilespmem:v28+s2+$0x0], $0xffff;
	v24 =	vadd.s32 v21, v24  }
0x43: {  	v38 =	vadd.s32 v16, v30;
	v40 =	vadd.s32 v19, v30;
	v42 =	vadd.s32 v17, v30  }
0x44: {  	v43 =	vadd.s32 v20, v30;
	v32 =	vand.u32 $0xFFFFFFF8, v27;
	v27 =	vand.u32 $0x7, v27  }
0x45: {  	v34 =	vand.u32 $0x7, v25;
	v35 =	vld.idx.msk [tilespmem:v23+s2+$0x0], $0xffff;
	v36 =	vand.u32 $0x7, v29;
	v39 =	vand.u32 $0xFFFFFFF8, v26  }
0x46: {  	v23 =	vadd.s32 v21, v30;
	v61 =	vand.u32 $0x7, v26;
	v32 =	vadd.s32 v14, v32;
	v41 =	vld.idx.msk [tilespmem:v31+s2+$0x0], $0xffff  }
0x47: {  	v44 =	vld.idx.msk [tilespmem:v24+s2+$0x0], $0xffff;
	v24 =	vand.u32 $0x7, v28;
	v32 =	vor.u32 v27, v32;
	v27 =	vand.u32 $0xFFFFFFF8, v25  }
0x48: {  	v25 =	vand.u32 $0xFFFFFFF8, v29;
	v29 =	vadd.s32 v18, v30;
	v37 =	vadd.s32 v14, v27  }
0x49: {  	v33 =	vld.idx.msk [tilespmem:v33+s2+$0x0], $0xffff;
	v27 =	vadd.s32 v22, v30;
	v30 =	vand.u32 $0xFFFFFFF8, v28;
	v25 =	vadd.s32 v14, v25  }
0x4a: {  	v26 =	vld.idx.msk [tilespmem:v40+s2+$0x0], $0xffff;
	v28 =	vadd.s32 v14, v30;
	v31 =	vor.u32 v36, v25;
	v30 =	vand.u32 $0xFFFFFFF8, v35  }
0x4b: {  	v25 =	vor.u32 v24, v28;
	v24 =	vand.u32 $0x7, v35;
	v28 =	vld.idx.msk [tilespmem:v38+s2+$0x0], $0xffff;
	v30 =	vadd.s32 v14, v30  }
0x4c: {  	v62 =	vadd.s32 v14, v39;
	v63 =	vand.u32 $0xFFFFFFF8, v41;
	[tilespmem:v32+s11+$0x0] =	vst.idx.add.f32.msk $0xffff, v3;
	v35 =	vor.u32 v24, v30  }
0x4d: {  	v38 =	vand.u32 $0x7, v41;
	v36 =	vand.u32 $0x7, v44;
	v32 =	vor.u32 v34, v37;
	v34 =	vld.idx.msk [tilespmem:v42+s2+$0x0], $0xffff  }
0x4e: {  	v30 =	vor.u32 v61, v62;
	v24 =	vld.idx.msk [tilespmem:v43+s2+$0x0], $0xffff;
	v39 =	vadd.s32 v14, v63;
	v37 =	vand.u32 $0xFFFFFFF8, v44  }
.LBB2_5:
0x4f: {  	s16 =	sadd.s32 $0x8, s16;
	v40 =	vld.idx.msk [tilespmem:v29+s2+$0x0], $0xffff;
	v29 =	vor.u32 v38, v39  }
0x50: {  	v39 =	vand.u32 $0xFFFFFFF8, v33;
	v33 =	vand.u32 $0x7, v33;
	v38 =	vmov s16;
	p0 =	slt.u32 s16, $0xC0;
	v41 =	vld.idx.msk [tilespmem:v27+s2+$0x0], $0xffff  }
0x51: {  	v37 =	vadd.s32 v14, v37;
	v27 =	vshrl.u32 v38, $0x3;
	v38 =	vadd.s32 v14, v39;
	[tilespmem:v35+s11+$0x0] =	vst.idx.add.f32.msk $0xffff, v3  }
0x52: {  	v27 =	vshll.u32 v27, $0x3;
	v33 =	vor.u32 v33, v38;
	[tilespmem:v31+s11+$0x0] =	vst.idx.add.f32.msk $0xffff, v3;
	v31 =	vor.u32 v36, v37  }
0x53: {  	v35 =	vbroadcast v27, $0x0;
	v27 =	vand.u32 $0xFFFFFFF8, v34;
	v34 =	vand.u32 $0x7, v34;
	[tilespmem:v32+s11+$0x0] =	vst.idx.add.f32.msk $0xffff, v3  }
0x54: {  	v32 =	vand.u32 $0xFFFFFFF8, v28;
	v28 =	vand.u32 $0x7, v28;
	v36 =	vadd.s32 v14, v27;
	[tilespmem:v30+s11+$0x0] =	vst.idx.add.f32.msk $0xffff, v3  }
0x55: {  	v38 =	vand.u32 $0xFFFFFFF8, v40;
	v30 =	vadd.s32 v15, v35;
	v37 =	vadd.s32 v16, v35;
	[tilespmem:v25+s11+$0x0] =	vst.idx.add.f32.msk $0xffff, v3  }
0x56: {  	v39 =	vadd.s32 v19, v35;
	v42 =	vadd.s32 v17, v35;
	[tilespmem:v29+s11+$0x0] =	vst.idx.add.f32.msk $0xffff, v3  }
0x57: {  	v27 =	vadd.s32 v22, v35;
	v25 =	vand.u32 $0x7, v26;
	v29 =	vadd.s32 v18, v35;
	[tilespmem:v31+s11+$0x0] =	vst.idx.add.f32.msk $0xffff, v3  }
0x58: {  	v43 =	vadd.s32 v20, v35;
	v26 =	vand.u32 $0xFFFFFFF8, v26;
	v44 =	vld.idx.msk [tilespmem:v23+s2+$0x0], $0xffff;
	v23 =	vadd.s32 v21, v35  }
0x59: {  	v26 =	vadd.s32 v14, v26;
	v31 =	vadd.s32 v14, v32;
	v32 =	vand.u32 $0xFFFFFFF8, v41;
	[tilespmem:v33+s11+$0x0] =	vst.idx.add.f32.msk $0xffff, v3  }
.Ltmp1:
0x5a: {  	v25 =	vor.u32 v25, v26;
	v31 =	vor.u32 v28, v31;
	v33 =	vld.idx.msk [tilespmem:v30+s2+$0x0], $0xffff;
	v30 =	vand.u32 $0x7, v41;
	(pc) =	sbr.rel @p0 .LBB2_5-.Ltmp1, $4  }
0x5b: {  	v38 =	vadd.s32 v14, v38;
	v35 =	vadd.s32 v14, v32;
	v28 =	vld.idx.msk [tilespmem:v37+s2+$0x0], $0xffff;
	v37 =	vand.u32 $0x7, v40  }
0x5c: {  	v32 =	vor.u32 v34, v36;
	v35 =	vor.u32 v30, v35;
	v26 =	vld.idx.msk [tilespmem:v39+s2+$0x0], $0xffff;
	v30 =	vor.u32 v37, v38  }
0x5d: {  	v36 =	vand.u32 $0xFFFFFFF8, v24;
	v38 =	vand.u32 $0x7, v24;
	v34 =	vld.idx.msk [tilespmem:v42+s2+$0x0], $0xffff  }
0x5e: {  	v39 =	vadd.s32 v14, v36;
	v37 =	vand.u32 $0xFFFFFFF8, v44;
	v36 =	vand.u32 $0x7, v44;
	v24 =	vld.idx.msk [tilespmem:v43+s2+$0x0], $0xffff  }
0x5f: {  	_ =	sdelay $0x3  }
0x60: {  	v15 =	vld.idx.msk [tilespmem:v27+s2+$0x0], $0xffff;
	v17 =	vor.u32 v38, v39  }
0x61: {  	v16 =	vld.idx.msk [tilespmem:v29+s2+$0x0], $0xffff;
	v18 =	vand.u32 $0xFFFFFFF8, v33;
	v19 =	vand.u32 $0x7, v33;
	v20 =	vadd.s32 v14, v37  }
0x62: {  	[tilespmem:v35+s11+$0x0] =	vst.idx.add.f32.msk $0xffff, v3;
	v18 =	vadd.s32 v14, v18;
	v52 =	vor.u32 v36, v20;
	v22 =	vand.u32 $0xFFFFFFF8, v28  }
0x63: {  	[tilespmem:v31+s11+$0x0] =	vst.idx.add.f32.msk $0xffff, v3;
	v54 =	vand.u32 $0x7, v28;
	v18 =	vor.u32 v19, v18;
	v56 =	vand.u32 $0xFFFFFFF8, v26  }
0x64: {  	[tilespmem:v32+s11+$0x0] =	vst.idx.add.f32.msk $0xffff, v3;
	v22 =	vadd.s32 v14, v22;
	v57 =	vand.u32 $0x7, v26;
	v53 =	vand.u32 $0xFFFFFFF8, v34  }
0x65: {  	v23 =	vld.idx.msk [tilespmem:v23+s2+$0x0], $0xffff;
	v21 =	vand.u32 $0x7, v34;
	v58 =	vadd.s32 v14, v56;
	v22 =	vor.u32 v54, v22  }
0x66: {  	[tilespmem:v30+s11+$0x0] =	vst.idx.add.f32.msk $0xffff, v3;
	v20 =	vadd.s32 v14, v53;
	v60 =	vor.u32 v57, v58;
	v61 =	vand.u32 $0xFFFFFFF8, v24  }
0x67: {  	[tilespmem:v25+s11+$0x0] =	vst.idx.add.f32.msk $0xffff, v3;
	v62 =	vand.u32 $0x7, v24;
	v55 =	vand.u32 $0xFFFFFFF8, v15;
	v29 =	vand.u32 $0xFFFFFFF8, v16  }
0x68: {  	v15 =	vand.u32 $0x7, v15;
	[tilespmem:v17+s11+$0x0] =	vst.idx.add.f32.msk $0xffff, v3;
	v20 =	vor.u32 v21, v20;
	v17 =	vadd.s32 v14, v61  }
0x69: {  	v16 =	vand.u32 $0x7, v16;
	v28 =	vadd.s32 v14, v55;
	[tilespmem:v52+s11+$0x0] =	vst.idx.add.f32.msk $0xffff, v3;
	v17 =	vor.u32 v62, v17  }
0x6a: {  	v63 =	vand.u32 $0xFFFFFFF8, v23;
	v59 =	vadd.s32 v14, v29;
	v15 =	vor.u32 v15, v28;
	[tilespmem:v18+s11+$0x0] =	vst.idx.add.f32.msk $0xffff, v3  }
0x6b: {  	s15 =	sadd.s32 $0x1, s15;
	v23 =	vand.u32 $0x7, v23;
	v14 =	vadd.s32 v14, v63;
	v16 =	vor.u32 v16, v59;
	[tilespmem:v22+s11+$0x0] =	vst.idx.add.f32.msk $0xffff, v3  }
0x6c: {  	p0 =	sne.s32 s15, $0x8;
	v14 =	vor.u32 v23, v14;
	[tilespmem:v60+s11+$0x0] =	vst.idx.add.f32.msk $0xffff, v3  }
.Ltmp2:
0x6d: {  	[tilespmem:v20+s11+$0x0] =	vst.idx.add.f32.msk $0xffff, v3;
	(pc) =	sbr.rel @p0 .LBB2_4-.Ltmp2, $4  }
0x6e: {  	[tilespmem:v17+s11+$0x0] =	vst.idx.add.f32.msk $0xffff, v3  }
0x6f: {  	[tilespmem:v15+s11+$0x0] =	vst.idx.add.f32.msk $0xffff, v3  }
0x70: {  	[tilespmem:v16+s11+$0x0] =	vst.idx.add.f32.msk $0xffff, v3  }
0x71: {  	[tilespmem:v14+s11+$0x0] =	vst.idx.add.f32.msk $0xffff, v3  }
0x72: {  	s15 =	simm.s32 $0x0  }
0x73: {  	[tilespmem:s15], [sflag:$0x1] =	stream.linear.gather [hbm4b:s5+s15], $0x6400, $0x38;
	[tilespmem:$0x1C800] =	vst v63  }
0x74: {  	_ =	swait.ge [sflag:s12], $0x6400  }
0x75: {  	[sflag:s12] =	ssyncset.done $0x0  }
0x76: {  	[sflag:s12] =	ssyncadd.s32 $0xFFFF9C00  }
.LBB2_8:
0x77: {  	s16 =	sshll.u32 s15, $0x4;
	s17 =	simm.s32 $0x0  }
0x78: {  	v14 =	vmov s16;
	v16 =	vmov s17  }
0x79: {  	v15 =	vmul.u32 $0xC8, v14;
	v16 =	vshrl.u32 v16, $0x3  }
0x7a: {  	v16 =	vshll.u32 v16, $0x3  }
0x7b: {  	v16 =	vadd.s32 v15, v16  }
0x7c: {  	v16 =	vbroadcast v16, $0x0;
	_ =	sdelay $0x1  }
0x7d: {  	v17 =	vadd.s32 v1, v16  }
0x7e: {  	v18 =	vadd.s32 v8, v16  }
0x7f: {  	v19 =	vadd.s32 v5, v16  }
0x80: {  	v20 =	vadd.s32 v6, v16;
	_ =	sdelay $0x1  }
0x81: {  	v21 =	vadd.s32 v10, v16;
	v17 =	vld.idx.msk [tilespmem:v17+s9+$0x0], $0xffff  }
0x82: {  	s16 =	simm.s32 $0x8;
	v22 =	vadd.s32 v11, v16;
	v18 =	vld.idx.msk [tilespmem:v18+s9+$0x0], $0xffff  }
0x83: {  	v24 =	vmov s16;
	v23 =	vadd.s32 v7, v16;
	v19 =	vld.idx.msk [tilespmem:v19+s9+$0x0], $0xffff  }
0x84: {  	v29 =	vld.idx.msk [tilespmem:v20+s9+$0x0], $0xffff;
	v20 =	vshrl.u32 v24, $0x3  }
0x85: {  	v14 =	vshll.u32 v14, $0x7;
	v20 =	vshll.u32 v20, $0x3  }
0x86: {  	v14 =	vor.u32 v4, v14;
	v31 =	vld.idx.msk [tilespmem:v21+s9+$0x0], $0xffff;
	v20 =	vadd.s32 v15, v20  }
0x87: {  	v26 =	vadd.s32 v9, v16;
	v22 =	vld.idx.msk [tilespmem:v22+s9+$0x0], $0xffff;
	v27 =	vbroadcast v20, $0x0;
	v24 =	vand.u32 $0xFFFFFFF8, v17  }
0x88: {  	v23 =	vld.idx.msk [tilespmem:v23+s9+$0x0], $0xffff;
	v17 =	vand.u32 $0x7, v17;
	v30 =	vand.u32 $0xFFFFFFF8, v19;
	v32 =	vand.u32 $0x7, v19  }
0x89: {  	v19 =	vand.u32 $0xFFFFFFF8, v18;
	v28 =	vadd.s32 v1, v27;
	v21 =	vadd.s32 v14, v24  }
0x8a: {  	v33 =	vand.u32 $0xFFFFFFF8, v29;
	v16 =	vadd.s32 v7, v27;
	v17 =	vor.u32 v17, v21  }
0x8b: {  	v34 =	vadd.s32 v8, v27;
	v35 =	vand.u32 $0x7, v18;
	v37 =	vadd.s32 v9, v27  }
0x8c: {  	v20 =	vld.idx.msk [tilespmem:v26+s9+$0x0], $0xffff;
	v36 =	vadd.s32 v11, v27;
	v25 =	vand.u32 $0x7, v31;
	v26 =	vadd.s32 v6, v27  }
0x8d: {  	v18 =	vand.u32 $0xFFFFFFF8, v22;
	v22 =	vand.u32 $0x7, v22;
	v38 =	vand.u32 $0x7, v23  }
0x8e: {  	v24 =	vadd.s32 v5, v27;
	v18 =	vadd.s32 v14, v18;
	v21 =	vadd.s32 v10, v27;
	v28 =	vld.idx.msk [tilespmem:v28+s9+$0x0], $0xffff  }
0x8f: {  	v18 =	vor.u32 v22, v18;
	v22 =	vadd.s32 v14, v30;
	[tilespmem:v17+s11+$0x0] =	vst.idx.add.f32.msk $0xffff, v3;
	v17 =	vand.u32 $0xFFFFFFF8, v23  }
0x90: {  	v27 =	vor.u32 v32, v22;
	v22 =	vld.idx.msk [tilespmem:v37+s9+$0x0], $0xffff;
	v23 =	vadd.s32 v14, v19;
	v63 =	vadd.s32 v14, v17  }
0x91: {  	v19 =	vld.idx.msk [tilespmem:v34+s9+$0x0], $0xffff;
	v30 =	vor.u32 v35, v23;
	v23 =	vand.u32 $0x7, v29;
	v29 =	vadd.s32 v14, v33  }
0x92: {  	v31 =	vand.u32 $0xFFFFFFF8, v31;
	v17 =	vld.idx.msk [tilespmem:v36+s9+$0x0], $0xffff;
	v23 =	vor.u32 v23, v29;
	v29 =	vor.u32 v38, v63  }
.LBB2_9:
0x93: {  	s16 =	sadd.s32 $0x8, s16;
	v24 =	vld.idx.msk [tilespmem:v24+s9+$0x0], $0xffff;
	v32 =	vand.u32 $0x7, v20;
	v31 =	vadd.s32 v14, v31  }
0x94: {  	v20 =	vand.u32 $0xFFFFFFF8, v20;
	v33 =	vmov s16;
	p0 =	slt.u32 s16, $0xC0;
	v34 =	vld.idx.msk [tilespmem:v26+s9+$0x0], $0xffff;
	v31 =	vor.u32 v25, v31  }
0x95: {  	v26 =	vand.u32 $0xFFFFFFF8, v28;
	v28 =	vand.u32 $0x7, v28;
	v25 =	vshrl.u32 v33, $0x3;
	v33 =	vld.idx.msk [tilespmem:v21+s9+$0x0], $0xffff  }
0x96: {  	v35 =	vadd.s32 v14, v20;
	v21 =	vshll.u32 v25, $0x3;
	v25 =	vadd.s32 v14, v26;
	[tilespmem:v30+s11+$0x0] =	vst.idx.add.f32.msk $0xffff, v3  }
0x97: {  	v26 =	vor.u32 v32, v35;
	v21 =	vadd.s32 v15, v21;
	v28 =	vor.u32 v28, v25;
	v30 =	vld.idx.msk [tilespmem:v16+s9+$0x0], $0xffff  }
0x98: {  	v20 =	vmov v22;
	v32 =	vbroadcast v21, $0x0;
	[tilespmem:v27+s11+$0x0] =	vst.idx.add.f32.msk $0xffff, v3  }
0x99: {  	v35 =	vand.u32 $0xFFFFFFF8, v19;
	v22 =	vand.u32 $0xFFFFFFF8, v24;
	v27 =	vand.u32 $0x7, v24;
	[tilespmem:v29+s11+$0x0] =	vst.idx.add.f32.msk $0xffff, v3  }
0x9a: {  	v36 =	vand.u32 $0xFFFFFFF8, v34;
	v29 =	vadd.s32 v1, v32;
	v24 =	vadd.s32 v5, v32;
	[tilespmem:v18+s11+$0x0] =	vst.idx.add.f32.msk $0xffff, v3  }
0x9b: {  	v38 =	vand.u32 $0x7, v19;
	v16 =	vadd.s32 v7, v32;
	v37 =	vadd.s32 v8, v32;
	[tilespmem:v23+s11+$0x0] =	vst.idx.add.f32.msk $0xffff, v3  }
0x9c: {  	v21 =	vadd.s32 v10, v32;
	v25 =	vand.u32 $0x7, v33;
	v23 =	vadd.s32 v11, v32;
	[tilespmem:v26+s11+$0x0] =	vst.idx.add.f32.msk $0xffff, v3  }
0x9d: {  	v18 =	vand.u32 $0xFFFFFFF8, v17;
	v26 =	vadd.s32 v6, v32;
	v32 =	vadd.s32 v9, v32;
	[tilespmem:v31+s11+$0x0] =	vst.idx.add.f32.msk $0xffff, v3  }
.Ltmp3:
0x9e: {  	v17 =	vand.u32 $0x7, v17;
	v18 =	vadd.s32 v14, v18;
	v31 =	vand.u32 $0xFFFFFFF8, v30;
	[tilespmem:v28+s11+$0x0] =	vst.idx.add.f32.msk $0xffff, v3;
	(pc) =	sbr.rel @p0 .LBB2_9-.Ltmp3, $4  }
0x9f: {  	v18 =	vor.u32 v17, v18;
	v28 =	vld.idx.msk [tilespmem:v29+s9+$0x0], $0xffff;
	v29 =	vand.u32 $0x7, v30;
	v30 =	vadd.s32 v14, v35  }
0xa0: {  	v22 =	vadd.s32 v14, v22;
	v31 =	vadd.s32 v14, v31;
	v19 =	vld.idx.msk [tilespmem:v37+s9+$0x0], $0xffff;
	v30 =	vor.u32 v38, v30  }
0xa1: {  	v27 =	vor.u32 v27, v22;
	v17 =	vld.idx.msk [tilespmem:v23+s9+$0x0], $0xffff;
	v23 =	vand.u32 $0x7, v34;
	v34 =	vadd.s32 v14, v36  }
0xa2: {  	v29 =	vor.u32 v29, v31;
	v31 =	vand.u32 $0xFFFFFFF8, v33;
	v22 =	vld.idx.msk [tilespmem:v32+s9+$0x0], $0xffff;
	v23 =	vor.u32 v23, v34  }
0xa3: {  	_ =	sdelay $0x3  }
0xa4: {  	v15 =	vld.idx.msk [tilespmem:v24+s9+$0x0], $0xffff;
	v31 =	vadd.s32 v14, v31  }
0xa5: {  	v46 =	vand.u32 $0x7, v20;
	v26 =	vld.idx.msk [tilespmem:v26+s9+$0x0], $0xffff;
	v47 =	vand.u32 $0xFFFFFFF8, v20;
	v25 =	vor.u32 v25, v31  }
0xa6: {  	v16 =	vld.idx.msk [tilespmem:v16+s9+$0x0], $0xffff;
	v48 =	vand.u32 $0xFFFFFFF8, v28;
	v49 =	vand.u32 $0x7, v28;
	v20 =	vadd.s32 v14, v47  }
0xa7: {  	v21 =	vld.idx.msk [tilespmem:v21+s9+$0x0], $0xffff;
	v31 =	vadd.s32 v14, v48;
	v20 =	vor.u32 v46, v20;
	v51 =	vand.u32 $0xFFFFFFF8, v19  }
0xa8: {  	[tilespmem:v30+s11+$0x0] =	vst.idx.add.f32.msk $0xffff, v3;
	v53 =	vand.u32 $0x7, v19;
	v28 =	vor.u32 v49, v31;
	v54 =	vand.u32 $0xFFFFFFF8, v17  }
0xa9: {  	[tilespmem:v27+s11+$0x0] =	vst.idx.add.f32.msk $0xffff, v3;
	v56 =	vand.u32 $0x7, v17;
	v27 =	vadd.s32 v14, v51;
	v30 =	vadd.s32 v14, v54  }
0xaa: {  	[tilespmem:v29+s11+$0x0] =	vst.idx.add.f32.msk $0xffff, v3;
	v19 =	vor.u32 v53, v27;
	v60 =	vand.u32 $0xFFFFFFF8, v22;
	v62 =	vand.u32 $0x7, v22  }
0xab: {  	[tilespmem:v18+s11+$0x0] =	vst.idx.add.f32.msk $0xffff, v3;
	v50 =	vand.u32 $0xFFFFFFF8, v15;
	v15 =	vand.u32 $0x7, v15;
	v52 =	vand.u32 $0xFFFFFFF8, v26  }
0xac: {  	[tilespmem:v23+s11+$0x0] =	vst.idx.add.f32.msk $0xffff, v3;
	v55 =	vand.u32 $0xFFFFFFF8, v16;
	v17 =	vor.u32 v56, v30;
	v24 =	vadd.s32 v14, v50  }
0xad: {  	v16 =	vand.u32 $0x7, v16;
	v18 =	vadd.s32 v14, v55;
	[tilespmem:v25+s11+$0x0] =	vst.idx.add.f32.msk $0xffff, v3;
	v15 =	vor.u32 v15, v24  }
0xae: {  	v57 =	vand.u32 $0x7, v26;
	v58 =	vadd.s32 v14, v52;
	[tilespmem:v20+s11+$0x0] =	vst.idx.add.f32.msk $0xffff, v3;
	v16 =	vor.u32 v16, v18  }
0xaf: {  	v61 =	vand.u32 $0xFFFFFFF8, v21;
	v59 =	vor.u32 v57, v58;
	v20 =	vadd.s32 v14, v60;
	[tilespmem:v28+s11+$0x0] =	vst.idx.add.f32.msk $0xffff, v3  }
0xb0: {  	s15 =	sadd.s32 $0x1, s15;
	v21 =	vand.u32 $0x7, v21;
	v14 =	vadd.s32 v14, v61;
	v63 =	vor.u32 v62, v20;
	[tilespmem:v19+s11+$0x0] =	vst.idx.add.f32.msk $0xffff, v3  }
0xb1: {  	p0 =	sne.s32 s15, $0x8;
	v14 =	vor.u32 v21, v14;
	[tilespmem:v17+s11+$0x0] =	vst.idx.add.f32.msk $0xffff, v3  }
.Ltmp4:
0xb2: {  	[tilespmem:v15+s11+$0x0] =	vst.idx.add.f32.msk $0xffff, v3;
	(pc) =	sbr.rel @p0 .LBB2_8-.Ltmp4, $4  }
0xb3: {  	[tilespmem:v16+s11+$0x0] =	vst.idx.add.f32.msk $0xffff, v3  }
0xb4: {  	[tilespmem:v59+s11+$0x0] =	vst.idx.add.f32.msk $0xffff, v3  }
0xb5: {  	[tilespmem:v63+s11+$0x0] =	vst.idx.add.f32.msk $0xffff, v3  }
0xb6: {  	[tilespmem:v14+s11+$0x0] =	vst.idx.add.f32.msk $0xffff, v3  }
0xb7: {  	s15 =	simm.s32 $0x0  }
0xb8: {  	[tilespmem:s9], [sflag:$0x2] =	stream.linear.gather [hbm4b:s6+s15], $0x6400, $0x38;
	[tilespmem:$0x1C800] =	vst v63  }
0xb9: {  	_ =	swait.ge [sflag:s10], $0x6400  }
0xba: {  	[sflag:s10] =	ssyncset.done $0x0  }
0xbb: {  	[sflag:s10] =	ssyncadd.s32 $0xFFFF9C00  }
.LBB2_12:
0xbc: {  	s16 =	sshll.u32 s15, $0x4;
	s17 =	simm.s32 $0x0  }
0xbd: {  	v14 =	vmov s16;
	v16 =	vmov s17  }
0xbe: {  	v15 =	vmul.u32 $0xC8, v14;
	v16 =	vshrl.u32 v16, $0x3  }
0xbf: {  	v16 =	vshll.u32 v16, $0x3  }
0xc0: {  	v16 =	vadd.s32 v15, v16  }
0xc1: {  	v16 =	vbroadcast v16, $0x0;
	_ =	sdelay $0x1  }
0xc2: {  	v17 =	vadd.s32 v1, v16  }
0xc3: {  	v18 =	vadd.s32 v8, v16  }
0xc4: {  	v19 =	vadd.s32 v5, v16  }
0xc5: {  	v20 =	vadd.s32 v6, v16;
	_ =	sdelay $0x1  }
0xc6: {  	v21 =	vadd.s32 v10, v16;
	v17 =	vld.idx.msk [tilespmem:v17+s2+$0x0], $0xffff  }
0xc7: {  	s16 =	simm.s32 $0x8;
	v22 =	vadd.s32 v11, v16;
	v18 =	vld.idx.msk [tilespmem:v18+s2+$0x0], $0xffff  }
0xc8: {  	v24 =	vmov s16;
	v23 =	vadd.s32 v7, v16;
	v19 =	vld.idx.msk [tilespmem:v19+s2+$0x0], $0xffff  }
0xc9: {  	v29 =	vld.idx.msk [tilespmem:v20+s2+$0x0], $0xffff;
	v20 =	vshrl.u32 v24, $0x3  }
0xca: {  	v14 =	vshll.u32 v14, $0x7;
	v20 =	vshll.u32 v20, $0x3  }
0xcb: {  	v14 =	vor.u32 v12, v14;
	v31 =	vld.idx.msk [tilespmem:v21+s2+$0x0], $0xffff;
	v20 =	vadd.s32 v15, v20  }
0xcc: {  	v26 =	vadd.s32 v9, v16;
	v22 =	vld.idx.msk [tilespmem:v22+s2+$0x0], $0xffff;
	v27 =	vbroadcast v20, $0x0;
	v24 =	vand.u32 $0xFFFFFFF8, v17  }
0xcd: {  	v23 =	vld.idx.msk [tilespmem:v23+s2+$0x0], $0xffff;
	v17 =	vand.u32 $0x7, v17;
	v30 =	vand.u32 $0xFFFFFFF8, v19;
	v32 =	vand.u32 $0x7, v19  }
0xce: {  	v19 =	vand.u32 $0xFFFFFFF8, v18;
	v28 =	vadd.s32 v1, v27;
	v21 =	vadd.s32 v14, v24  }
0xcf: {  	v33 =	vand.u32 $0xFFFFFFF8, v29;
	v16 =	vadd.s32 v7, v27;
	v17 =	vor.u32 v17, v21  }
0xd0: {  	v34 =	vadd.s32 v8, v27;
	v35 =	vand.u32 $0x7, v18;
	v37 =	vadd.s32 v9, v27  }
0xd1: {  	v20 =	vld.idx.msk [tilespmem:v26+s2+$0x0], $0xffff;
	v36 =	vadd.s32 v11, v27;
	v25 =	vand.u32 $0x7, v31;
	v26 =	vadd.s32 v6, v27  }
0xd2: {  	v18 =	vand.u32 $0xFFFFFFF8, v22;
	v22 =	vand.u32 $0x7, v22;
	v38 =	vand.u32 $0x7, v23  }
0xd3: {  	v24 =	vadd.s32 v5, v27;
	v18 =	vadd.s32 v14, v18;
	v21 =	vadd.s32 v10, v27;
	v28 =	vld.idx.msk [tilespmem:v28+s2+$0x0], $0xffff  }
0xd4: {  	v18 =	vor.u32 v22, v18;
	v22 =	vadd.s32 v14, v30;
	[tilespmem:v17+s11+$0x0] =	vst.idx.add.f32.msk $0xffff, v3;
	v17 =	vand.u32 $0xFFFFFFF8, v23  }
0xd5: {  	v27 =	vor.u32 v32, v22;
	v22 =	vld.idx.msk [tilespmem:v37+s2+$0x0], $0xffff;
	v23 =	vadd.s32 v14, v19;
	v63 =	vadd.s32 v14, v17  }
0xd6: {  	v19 =	vld.idx.msk [tilespmem:v34+s2+$0x0], $0xffff;
	v30 =	vor.u32 v35, v23;
	v23 =	vand.u32 $0x7, v29;
	v29 =	vadd.s32 v14, v33  }
0xd7: {  	v31 =	vand.u32 $0xFFFFFFF8, v31;
	v17 =	vld.idx.msk [tilespmem:v36+s2+$0x0], $0xffff;
	v23 =	vor.u32 v23, v29;
	v29 =	vor.u32 v38, v63  }
.LBB2_13:
0xd8: {  	s16 =	sadd.s32 $0x8, s16;
	v24 =	vld.idx.msk [tilespmem:v24+s2+$0x0], $0xffff;
	v32 =	vand.u32 $0x7, v20;
	v31 =	vadd.s32 v14, v31  }
0xd9: {  	v20 =	vand.u32 $0xFFFFFFF8, v20;
	v33 =	vmov s16;
	p0 =	slt.u32 s16, $0xC0;
	v34 =	vld.idx.msk [tilespmem:v26+s2+$0x0], $0xffff;
	v31 =	vor.u32 v25, v31  }
0xda: {  	v26 =	vand.u32 $0xFFFFFFF8, v28;
	v28 =	vand.u32 $0x7, v28;
	v25 =	vshrl.u32 v33, $0x3;
	v33 =	vld.idx.msk [tilespmem:v21+s2+$0x0], $0xffff  }
0xdb: {  	v35 =	vadd.s32 v14, v20;
	v21 =	vshll.u32 v25, $0x3;
	v25 =	vadd.s32 v14, v26;
	[tilespmem:v30+s11+$0x0] =	vst.idx.add.f32.msk $0xffff, v3  }
0xdc: {  	v26 =	vor.u32 v32, v35;
	v21 =	vadd.s32 v15, v21;
	v28 =	vor.u32 v28, v25;
	v30 =	vld.idx.msk [tilespmem:v16+s2+$0x0], $0xffff  }
0xdd: {  	v20 =	vmov v22;
	v32 =	vbroadcast v21, $0x0;
	[tilespmem:v27+s11+$0x0] =	vst.idx.add.f32.msk $0xffff, v3  }
0xde: {  	v35 =	vand.u32 $0xFFFFFFF8, v19;
	v22 =	vand.u32 $0xFFFFFFF8, v24;
	v27 =	vand.u32 $0x7, v24;
	[tilespmem:v29+s11+$0x0] =	vst.idx.add.f32.msk $0xffff, v3  }
0xdf: {  	v36 =	vand.u32 $0xFFFFFFF8, v34;
	v29 =	vadd.s32 v1, v32;
	v24 =	vadd.s32 v5, v32;
	[tilespmem:v18+s11+$0x0] =	vst.idx.add.f32.msk $0xffff, v3  }
0xe0: {  	v38 =	vand.u32 $0x7, v19;
	v16 =	vadd.s32 v7, v32;
	v37 =	vadd.s32 v8, v32;
	[tilespmem:v23+s11+$0x0] =	vst.idx.add.f32.msk $0xffff, v3  }
0xe1: {  	v21 =	vadd.s32 v10, v32;
	v25 =	vand.u32 $0x7, v33;
	v23 =	vadd.s32 v11, v32;
	[tilespmem:v26+s11+$0x0] =	vst.idx.add.f32.msk $0xffff, v3  }
0xe2: {  	v18 =	vand.u32 $0xFFFFFFF8, v17;
	v26 =	vadd.s32 v6, v32;
	v32 =	vadd.s32 v9, v32;
	[tilespmem:v31+s11+$0x0] =	vst.idx.add.f32.msk $0xffff, v3  }
.Ltmp5:
0xe3: {  	v17 =	vand.u32 $0x7, v17;
	v18 =	vadd.s32 v14, v18;
	v31 =	vand.u32 $0xFFFFFFF8, v30;
	[tilespmem:v28+s11+$0x0] =	vst.idx.add.f32.msk $0xffff, v3;
	(pc) =	sbr.rel @p0 .LBB2_13-.Ltmp5, $4  }
0xe4: {  	v18 =	vor.u32 v17, v18;
	v28 =	vld.idx.msk [tilespmem:v29+s2+$0x0], $0xffff;
	v29 =	vand.u32 $0x7, v30;
	v30 =	vadd.s32 v14, v35  }
0xe5: {  	v22 =	vadd.s32 v14, v22;
	v31 =	vadd.s32 v14, v31;
	v19 =	vld.idx.msk [tilespmem:v37+s2+$0x0], $0xffff;
	v30 =	vor.u32 v38, v30  }
0xe6: {  	v27 =	vor.u32 v27, v22;
	v17 =	vld.idx.msk [tilespmem:v23+s2+$0x0], $0xffff;
	v23 =	vand.u32 $0x7, v34;
	v34 =	vadd.s32 v14, v36  }
0xe7: {  	v29 =	vor.u32 v29, v31;
	v31 =	vand.u32 $0xFFFFFFF8, v33;
	v22 =	vld.idx.msk [tilespmem:v32+s2+$0x0], $0xffff;
	v23 =	vor.u32 v23, v34  }
0xe8: {  	_ =	sdelay $0x3  }
0xe9: {  	v15 =	vld.idx.msk [tilespmem:v24+s2+$0x0], $0xffff;
	v31 =	vadd.s32 v14, v31  }
0xea: {  	v46 =	vand.u32 $0x7, v20;
	v26 =	vld.idx.msk [tilespmem:v26+s2+$0x0], $0xffff;
	v47 =	vand.u32 $0xFFFFFFF8, v20;
	v25 =	vor.u32 v25, v31  }
0xeb: {  	v16 =	vld.idx.msk [tilespmem:v16+s2+$0x0], $0xffff;
	v48 =	vand.u32 $0xFFFFFFF8, v28;
	v49 =	vand.u32 $0x7, v28;
	v20 =	vadd.s32 v14, v47  }
0xec: {  	v21 =	vld.idx.msk [tilespmem:v21+s2+$0x0], $0xffff;
	v31 =	vadd.s32 v14, v48;
	v20 =	vor.u32 v46, v20;
	v51 =	vand.u32 $0xFFFFFFF8, v19  }
0xed: {  	[tilespmem:v30+s11+$0x0] =	vst.idx.add.f32.msk $0xffff, v3;
	v53 =	vand.u32 $0x7, v19;
	v28 =	vor.u32 v49, v31;
	v54 =	vand.u32 $0xFFFFFFF8, v17  }
0xee: {  	[tilespmem:v27+s11+$0x0] =	vst.idx.add.f32.msk $0xffff, v3;
	v56 =	vand.u32 $0x7, v17;
	v27 =	vadd.s32 v14, v51;
	v30 =	vadd.s32 v14, v54  }
0xef: {  	[tilespmem:v29+s11+$0x0] =	vst.idx.add.f32.msk $0xffff, v3;
	v19 =	vor.u32 v53, v27;
	v60 =	vand.u32 $0xFFFFFFF8, v22;
	v62 =	vand.u32 $0x7, v22  }
0xf0: {  	[tilespmem:v18+s11+$0x0] =	vst.idx.add.f32.msk $0xffff, v3;
	v50 =	vand.u32 $0xFFFFFFF8, v15;
	v15 =	vand.u32 $0x7, v15;
	v52 =	vand.u32 $0xFFFFFFF8, v26  }
0xf1: {  	[tilespmem:v23+s11+$0x0] =	vst.idx.add.f32.msk $0xffff, v3;
	v55 =	vand.u32 $0xFFFFFFF8, v16;
	v17 =	vor.u32 v56, v30;
	v24 =	vadd.s32 v14, v50  }
0xf2: {  	v16 =	vand.u32 $0x7, v16;
	v18 =	vadd.s32 v14, v55;
	[tilespmem:v25+s11+$0x0] =	vst.idx.add.f32.msk $0xffff, v3;
	v15 =	vor.u32 v15, v24  }
0xf3: {  	v57 =	vand.u32 $0x7, v26;
	v58 =	vadd.s32 v14, v52;
	[tilespmem:v20+s11+$0x0] =	vst.idx.add.f32.msk $0xffff, v3;
	v16 =	vor.u32 v16, v18  }
0xf4: {  	v61 =	vand.u32 $0xFFFFFFF8, v21;
	v59 =	vor.u32 v57, v58;
	v20 =	vadd.s32 v14, v60;
	[tilespmem:v28+s11+$0x0] =	vst.idx.add.f32.msk $0xffff, v3  }
0xf5: {  	s15 =	sadd.s32 $0x1, s15;
	v21 =	vand.u32 $0x7, v21;
	v14 =	vadd.s32 v14, v61;
	v63 =	vor.u32 v62, v20;
	[tilespmem:v19+s11+$0x0] =	vst.idx.add.f32.msk $0xffff, v3  }
0xf6: {  	p0 =	sne.s32 s15, $0x8;
	v14 =	vor.u32 v21, v14;
	[tilespmem:v17+s11+$0x0] =	vst.idx.add.f32.msk $0xffff, v3  }
.Ltmp6:
0xf7: {  	[tilespmem:v15+s11+$0x0] =	vst.idx.add.f32.msk $0xffff, v3;
	(pc) =	sbr.rel @p0 .LBB2_12-.Ltmp6, $4  }
0xf8: {  	[tilespmem:v16+s11+$0x0] =	vst.idx.add.f32.msk $0xffff, v3  }
0xf9: {  	[tilespmem:v59+s11+$0x0] =	vst.idx.add.f32.msk $0xffff, v3  }
0xfa: {  	[tilespmem:v63+s11+$0x0] =	vst.idx.add.f32.msk $0xffff, v3  }
0xfb: {  	[tilespmem:v14+s11+$0x0] =	vst.idx.add.f32.msk $0xffff, v3  }
0xfc: {  	_ =	swait.ge [sflag:s12], $0x6400  }
0xfd: {  	[sflag:s12] =	ssyncset.done $0x0  }
0xfe: {  	s15 =	simm.s32 $0x0;
	[sflag:s12] =	ssyncadd.s32 $0xFFFF9C00  }
.LBB2_16:
0xff: {  	s16 =	sshll.u32 s15, $0x4;
	s17 =	simm.s32 $0x0  }
0x100: {  	v14 =	vmov s16;
	v16 =	vmov s17  }
0x101: {  	v15 =	vmul.u32 $0xC8, v14;
	v16 =	vshrl.u32 v16, $0x3  }
0x102: {  	v16 =	vshll.u32 v16, $0x3  }
0x103: {  	v16 =	vadd.s32 v15, v16  }
0x104: {  	v16 =	vbroadcast v16, $0x0;
	_ =	sdelay $0x1  }
0x105: {  	v17 =	vadd.s32 v1, v16  }
0x106: {  	v18 =	vadd.s32 v8, v16  }
0x107: {  	v19 =	vadd.s32 v5, v16  }
0x108: {  	v20 =	vadd.s32 v6, v16;
	_ =	sdelay $0x1  }
0x109: {  	v21 =	vadd.s32 v10, v16;
	v17 =	vld.idx.msk [tilespmem:v17+s9+$0x0], $0xffff  }
0x10a: {  	s16 =	simm.s32 $0x8;
	v22 =	vadd.s32 v11, v16;
	v18 =	vld.idx.msk [tilespmem:v18+s9+$0x0], $0xffff  }
0x10b: {  	v24 =	vmov s16;
	v23 =	vadd.s32 v7, v16;
	v19 =	vld.idx.msk [tilespmem:v19+s9+$0x0], $0xffff  }
0x10c: {  	v29 =	vld.idx.msk [tilespmem:v20+s9+$0x0], $0xffff;
	v20 =	vshrl.u32 v24, $0x3  }
0x10d: {  	v14 =	vshll.u32 v14, $0x7;
	v20 =	vshll.u32 v20, $0x3  }
0x10e: {  	v14 =	vor.u32 v13, v14;
	v31 =	vld.idx.msk [tilespmem:v21+s9+$0x0], $0xffff;
	v20 =	vadd.s32 v15, v20  }
0x10f: {  	v26 =	vadd.s32 v9, v16;
	v22 =	vld.idx.msk [tilespmem:v22+s9+$0x0], $0xffff;
	v27 =	vbroadcast v20, $0x0;
	v24 =	vand.u32 $0xFFFFFFF8, v17  }
0x110: {  	v23 =	vld.idx.msk [tilespmem:v23+s9+$0x0], $0xffff;
	v17 =	vand.u32 $0x7, v17;
	v30 =	vand.u32 $0xFFFFFFF8, v19;
	v32 =	vand.u32 $0x7, v19  }
0x111: {  	v19 =	vand.u32 $0xFFFFFFF8, v18;
	v28 =	vadd.s32 v1, v27;
	v21 =	vadd.s32 v14, v24  }
0x112: {  	v33 =	vand.u32 $0xFFFFFFF8, v29;
	v16 =	vadd.s32 v7, v27;
	v17 =	vor.u32 v17, v21  }
0x113: {  	v34 =	vadd.s32 v8, v27;
	v35 =	vand.u32 $0x7, v18;
	v37 =	vadd.s32 v9, v27  }
0x114: {  	v20 =	vld.idx.msk [tilespmem:v26+s9+$0x0], $0xffff;
	v36 =	vadd.s32 v11, v27;
	v25 =	vand.u32 $0x7, v31;
	v26 =	vadd.s32 v6, v27  }
0x115: {  	v18 =	vand.u32 $0xFFFFFFF8, v22;
	v22 =	vand.u32 $0x7, v22;
	v38 =	vand.u32 $0x7, v23  }
0x116: {  	v24 =	vadd.s32 v5, v27;
	v18 =	vadd.s32 v14, v18;
	v21 =	vadd.s32 v10, v27;
	v28 =	vld.idx.msk [tilespmem:v28+s9+$0x0], $0xffff  }
0x117: {  	v18 =	vor.u32 v22, v18;
	v22 =	vadd.s32 v14, v30;
	[tilespmem:v17+s11+$0x0] =	vst.idx.add.f32.msk $0xffff, v3;
	v17 =	vand.u32 $0xFFFFFFF8, v23  }
0x118: {  	v27 =	vor.u32 v32, v22;
	v22 =	vld.idx.msk [tilespmem:v37+s9+$0x0], $0xffff;
	v23 =	vadd.s32 v14, v19;
	v63 =	vadd.s32 v14, v17  }
0x119: {  	v19 =	vld.idx.msk [tilespmem:v34+s9+$0x0], $0xffff;
	v30 =	vor.u32 v35, v23;
	v23 =	vand.u32 $0x7, v29;
	v29 =	vadd.s32 v14, v33  }
0x11a: {  	v31 =	vand.u32 $0xFFFFFFF8, v31;
	v17 =	vld.idx.msk [tilespmem:v36+s9+$0x0], $0xffff;
	v23 =	vor.u32 v23, v29;
	v29 =	vor.u32 v38, v63  }
.LBB2_17:
0x11b: {  	s16 =	sadd.s32 $0x8, s16;
	v24 =	vld.idx.msk [tilespmem:v24+s9+$0x0], $0xffff;
	v32 =	vand.u32 $0x7, v20;
	v31 =	vadd.s32 v14, v31  }
0x11c: {  	v20 =	vand.u32 $0xFFFFFFF8, v20;
	v33 =	vmov s16;
	p0 =	slt.u32 s16, $0xC0;
	v34 =	vld.idx.msk [tilespmem:v26+s9+$0x0], $0xffff;
	v31 =	vor.u32 v25, v31  }
0x11d: {  	v26 =	vand.u32 $0xFFFFFFF8, v28;
	v28 =	vand.u32 $0x7, v28;
	v25 =	vshrl.u32 v33, $0x3;
	v33 =	vld.idx.msk [tilespmem:v21+s9+$0x0], $0xffff  }
0x11e: {  	v35 =	vadd.s32 v14, v20;
	v21 =	vshll.u32 v25, $0x3;
	v25 =	vadd.s32 v14, v26;
	[tilespmem:v30+s11+$0x0] =	vst.idx.add.f32.msk $0xffff, v3  }
0x11f: {  	v26 =	vor.u32 v32, v35;
	v21 =	vadd.s32 v15, v21;
	v28 =	vor.u32 v28, v25;
	v30 =	vld.idx.msk [tilespmem:v16+s9+$0x0], $0xffff  }
0x120: {  	v20 =	vmov v22;
	v32 =	vbroadcast v21, $0x0;
	[tilespmem:v27+s11+$0x0] =	vst.idx.add.f32.msk $0xffff, v3  }
0x121: {  	v35 =	vand.u32 $0xFFFFFFF8, v19;
	v22 =	vand.u32 $0xFFFFFFF8, v24;
	v27 =	vand.u32 $0x7, v24;
	[tilespmem:v29+s11+$0x0] =	vst.idx.add.f32.msk $0xffff, v3  }
0x122: {  	v36 =	vand.u32 $0xFFFFFFF8, v34;
	v29 =	vadd.s32 v1, v32;
	v24 =	vadd.s32 v5, v32;
	[tilespmem:v18+s11+$0x0] =	vst.idx.add.f32.msk $0xffff, v3  }
0x123: {  	v38 =	vand.u32 $0x7, v19;
	v16 =	vadd.s32 v7, v32;
	v37 =	vadd.s32 v8, v32;
	[tilespmem:v23+s11+$0x0] =	vst.idx.add.f32.msk $0xffff, v3  }
0x124: {  	v21 =	vadd.s32 v10, v32;
	v25 =	vand.u32 $0x7, v33;
	v23 =	vadd.s32 v11, v32;
	[tilespmem:v26+s11+$0x0] =	vst.idx.add.f32.msk $0xffff, v3  }
0x125: {  	v18 =	vand.u32 $0xFFFFFFF8, v17;
	v26 =	vadd.s32 v6, v32;
	v32 =	vadd.s32 v9, v32;
	[tilespmem:v31+s11+$0x0] =	vst.idx.add.f32.msk $0xffff, v3  }
.Ltmp7:
0x126: {  	v17 =	vand.u32 $0x7, v17;
	v18 =	vadd.s32 v14, v18;
	v31 =	vand.u32 $0xFFFFFFF8, v30;
	[tilespmem:v28+s11+$0x0] =	vst.idx.add.f32.msk $0xffff, v3;
	(pc) =	sbr.rel @p0 .LBB2_17-.Ltmp7, $4  }
0x127: {  	v18 =	vor.u32 v17, v18;
	v28 =	vld.idx.msk [tilespmem:v29+s9+$0x0], $0xffff;
	v29 =	vand.u32 $0x7, v30;
	v30 =	vadd.s32 v14, v35  }
0x128: {  	v22 =	vadd.s32 v14, v22;
	v31 =	vadd.s32 v14, v31;
	v19 =	vld.idx.msk [tilespmem:v37+s9+$0x0], $0xffff;
	v30 =	vor.u32 v38, v30  }
0x129: {  	v27 =	vor.u32 v27, v22;
	v17 =	vld.idx.msk [tilespmem:v23+s9+$0x0], $0xffff;
	v23 =	vand.u32 $0x7, v34;
	v34 =	vadd.s32 v14, v36  }
0x12a: {  	v29 =	vor.u32 v29, v31;
	v31 =	vand.u32 $0xFFFFFFF8, v33;
	v22 =	vld.idx.msk [tilespmem:v32+s9+$0x0], $0xffff;
	v23 =	vor.u32 v23, v34  }
0x12b: {  	_ =	sdelay $0x3  }
0x12c: {  	v15 =	vld.idx.msk [tilespmem:v24+s9+$0x0], $0xffff;
	v31 =	vadd.s32 v14, v31  }
0x12d: {  	v46 =	vand.u32 $0x7, v20;
	v26 =	vld.idx.msk [tilespmem:v26+s9+$0x0], $0xffff;
	v47 =	vand.u32 $0xFFFFFFF8, v20;
	v25 =	vor.u32 v25, v31  }
0x12e: {  	v16 =	vld.idx.msk [tilespmem:v16+s9+$0x0], $0xffff;
	v48 =	vand.u32 $0xFFFFFFF8, v28;
	v49 =	vand.u32 $0x7, v28;
	v20 =	vadd.s32 v14, v47  }
0x12f: {  	v21 =	vld.idx.msk [tilespmem:v21+s9+$0x0], $0xffff;
	v31 =	vadd.s32 v14, v48;
	v20 =	vor.u32 v46, v20;
	v51 =	vand.u32 $0xFFFFFFF8, v19  }
0x130: {  	[tilespmem:v30+s11+$0x0] =	vst.idx.add.f32.msk $0xffff, v3;
	v53 =	vand.u32 $0x7, v19;
	v28 =	vor.u32 v49, v31;
	v54 =	vand.u32 $0xFFFFFFF8, v17  }
0x131: {  	[tilespmem:v27+s11+$0x0] =	vst.idx.add.f32.msk $0xffff, v3;
	v56 =	vand.u32 $0x7, v17;
	v27 =	vadd.s32 v14, v51;
	v30 =	vadd.s32 v14, v54  }
0x132: {  	[tilespmem:v29+s11+$0x0] =	vst.idx.add.f32.msk $0xffff, v3;
	v19 =	vor.u32 v53, v27;
	v60 =	vand.u32 $0xFFFFFFF8, v22;
	v62 =	vand.u32 $0x7, v22  }
0x133: {  	[tilespmem:v18+s11+$0x0] =	vst.idx.add.f32.msk $0xffff, v3;
	v50 =	vand.u32 $0xFFFFFFF8, v15;
	v15 =	vand.u32 $0x7, v15;
	v52 =	vand.u32 $0xFFFFFFF8, v26  }
0x134: {  	[tilespmem:v23+s11+$0x0] =	vst.idx.add.f32.msk $0xffff, v3;
	v55 =	vand.u32 $0xFFFFFFF8, v16;
	v17 =	vor.u32 v56, v30;
	v24 =	vadd.s32 v14, v50  }
0x135: {  	v16 =	vand.u32 $0x7, v16;
	v18 =	vadd.s32 v14, v55;
	[tilespmem:v25+s11+$0x0] =	vst.idx.add.f32.msk $0xffff, v3;
	v15 =	vor.u32 v15, v24  }
0x136: {  	v57 =	vand.u32 $0x7, v26;
	v58 =	vadd.s32 v14, v52;
	[tilespmem:v20+s11+$0x0] =	vst.idx.add.f32.msk $0xffff, v3;
	v16 =	vor.u32 v16, v18  }
0x137: {  	v61 =	vand.u32 $0xFFFFFFF8, v21;
	v59 =	vor.u32 v57, v58;
	v20 =	vadd.s32 v14, v60;
	[tilespmem:v28+s11+$0x0] =	vst.idx.add.f32.msk $0xffff, v3  }
0x138: {  	s15 =	sadd.s32 $0x1, s15;
	v21 =	vand.u32 $0x7, v21;
	v14 =	vadd.s32 v14, v61;
	v63 =	vor.u32 v62, v20;
	[tilespmem:v19+s11+$0x0] =	vst.idx.add.f32.msk $0xffff, v3  }
0x139: {  	p0 =	sne.s32 s15, $0x8;
	v14 =	vor.u32 v21, v14;
	[tilespmem:v17+s11+$0x0] =	vst.idx.add.f32.msk $0xffff, v3  }
.Ltmp8:
0x13a: {  	[tilespmem:v15+s11+$0x0] =	vst.idx.add.f32.msk $0xffff, v3;
	(pc) =	sbr.rel @p0 .LBB2_16-.Ltmp8, $4  }
0x13b: {  	[tilespmem:v16+s11+$0x0] =	vst.idx.add.f32.msk $0xffff, v3  }
0x13c: {  	[tilespmem:v59+s11+$0x0] =	vst.idx.add.f32.msk $0xffff, v3  }
0x13d: {  	[tilespmem:v63+s11+$0x0] =	vst.idx.add.f32.msk $0xffff, v3  }
0x13e: {  	[tilespmem:v14+s11+$0x0] =	vst.idx.add.f32.msk $0xffff, v3  }
0x13f: {  	s14 =	sadd.s32 $0x1, s14  }
0x140: {  	p0 =	sne.s32 s14, s8  }
.Ltmp9:
0x141: {  	_ = 	snop;
	(pc) =	sbr.rel @p0 .LBB2_1-.Ltmp9, $4  }
0x142: {  	[hbm4b:s7+s2] =	stream.linear.scatter [tilespmem:s11], [sflag:$0x3], $0x10000, $0x38;
	[tilespmem:$0x1C800] =	vst v63  }
0x143: {  	_ =	swait.ge [sflag:s13], $0x10000  }
0x144: {  	[sflag:s13] =	ssyncset.done $0x0  }
0x145: {  	[sflag:s13] =	ssyncadd.s32 $0xFFFF0000  }
0x146: {  	_ =	sfence.sel $0x180000  }
0x147: {  	[bflag:$0x0] =	sbarrier.arrive $0xFFFF  }
0x148: {  	p0 =	sne.s32 s1, $0x0;
	_ =	strace $0x90000047  }
0x149: {  	s0 =	sadd.s32 @!p0 $0x100000, s0;
	[bflag:$0x2] =	sbarrier.arrive $0xFFFF  }
0x14a: {  	[sflag:s0] =	ssyncadd.tile.s32 @!p0 $0x1;
	_ =	shalt  }
.Lfunc_end2:
_tile_overlayer_lowered:
.L_overlay_start_2:
0x14b: {  	(tag) =	ssettag $0x2  }
0x14c: {  	s0 =	rddreg [dreg:$0x0];
	s2 =	stileid.u32  }
0x14d: {  	s1 =	rddreg [dreg:$0x1];
	p0 =	sne.s32 s2, $0x0  }
0x14e: {  	s3 =	rddreg [dreg:$0x2];
	[bflag:$0x3] =	sbarrier.arrive $0xFFFF;
	s2 =	simm.s32 @!p0 $0x1C03  }
0x14f: {  	[timem:s3], [sflag:s2] =	dma.local @!p0 [hbm:s0], s1  }
0x150: {  	s0 =	simm.s32 @!p0 $0x3  }
0x151: {  	_ =	swait.ge @!p0 [sflag:s0], s1  }
0x152: {  	s1 =	ssub.s32 @!p0 $0x0, s1;
	[sflag:s0] =	ssyncset.done @!p0 $0x0  }
0x153: {  	[sflag:s0] =	ssyncadd.s32 @!p0 s1  }
0x154: {  	[bflag:$0x3] =	sbarrier.arrive $0xFFFF  }
0x155: {  	_ =	shalt  }

</sc_bundles>
